<compile_context>
chip_gen: v7x
topology: tpu7x:2x2x1
jax: 0.10.2.dev20260603
libtpu: 0.0.44.dev20260713+nightly
codegen_flags: <defaults>
</compile_context>

<pallas_src>
import functools
import jax
import jax.numpy as jnp
from jax import lax
from jax.experimental import pallas as pl
from jax.experimental.pallas import tpu as pltpu, tpu_sc as plsc

N = 10000
D = 128
E = 320000
NW = 32
CHUNK = 128
NCH = 80
EP = NW * NCH * CHUNK
NA = 10112
SLAB = NA // 16
NH = 10240
HSLAB = NH // 16

_mesh = plsc.VectorSubcoreMesh(core_axis_name="c", subcore_axis_name="s")


@functools.partial(
    pl.kernel,
    out_type=jax.ShapeDtypeStruct((2, 2, NH, D), jnp.float32),
    mesh=_mesh,
    scratch_types=[
        pltpu.VMEM((NCH, CHUNK), jnp.int32),
        pltpu.VMEM((NCH, CHUNK), jnp.int32),
        pltpu.VMEM((CHUNK, D), jnp.float32),
        pltpu.VMEM_SHARED((NH, D), jnp.float32),
    ],
)
def _sc_degrees(srcb, dstb, ones_hbm, zrows_hbm, out, sidx, didx, ones_v,
                hist):
    c = lax.axis_index("c")
    s = lax.axis_index("s")
    b = c * 16 + s
    pltpu.sync_copy(srcb.at[b], sidx)
    pltpu.sync_copy(dstb.at[b], didx)
    pltpu.sync_copy(ones_hbm, ones_v)
    base = s * HSLAB
    pltpu.sync_copy(zrows_hbm, hist.at[pl.ds(base, HSLAB)])
    plsc.subcore_barrier()

    def body_s(j, _):
        pltpu.sync_copy(ones_v, hist.at[sidx.at[j]], add=True)
        return _

    lax.fori_loop(0, NCH, body_s, None)
    plsc.subcore_barrier()
    pltpu.sync_copy(hist.at[pl.ds(base, HSLAB)],
                    out.at[c, 0, pl.ds(base, HSLAB)])
    pltpu.sync_copy(zrows_hbm, hist.at[pl.ds(base, HSLAB)])
    plsc.subcore_barrier()

    def body_d(j, _):
        pltpu.sync_copy(ones_v, hist.at[didx.at[j]], add=True)
        return _

    lax.fori_loop(0, NCH, body_d, None)
    plsc.subcore_barrier()
    pltpu.sync_copy(hist.at[pl.ds(base, HSLAB)],
                    out.at[c, 1, pl.ds(base, HSLAB)])


@functools.partial(
    pl.kernel,
    out_type=jax.ShapeDtypeStruct((2, NA, D), jnp.float32),
    mesh=_mesh,
    scratch_types=[
        pltpu.VMEM((NCH, CHUNK), jnp.int32),
        pltpu.VMEM((NCH, CHUNK), jnp.int32),
        pltpu.VMEM((CHUNK, D), jnp.float32),
        pltpu.VMEM_SHARED((NA, D), jnp.float32),
        pltpu.SemaphoreType.DMA,
    ],
)
def _sc_spmm(g_hbm, srcb, dstb, zrows_hbm, out, sidx, didx, rows, agg, sem):
    c = lax.axis_index("c")
    s = lax.axis_index("s")
    b = c * 16 + s
    pltpu.sync_copy(srcb.at[b], sidx)
    pltpu.sync_copy(dstb.at[b], didx)
    base = s * SLAB
    pltpu.sync_copy(zrows_hbm, agg.at[pl.ds(base, SLAB)])
    plsc.subcore_barrier()

    def body(j, _):
        pltpu.async_copy(g_hbm.at[sidx.at[j]], rows, sem).wait()
        pltpu.sync_copy(rows, agg.at[didx.at[j]], add=True)
        return _

    lax.fori_loop(0, NCH, body, None)
    plsc.subcore_barrier()
    pltpu.sync_copy(agg.at[pl.ds(base, SLAB)], out.at[c, pl.ds(base, SLAB)])


_BR = 632
_GRID = NA // _BR


def _tc_first_body(x_ref, ns_ref, w_ref, o_ref):
    o_ref[...] = jnp.dot(x_ref[...] * ns_ref[...], w_ref[...],
                         preferred_element_type=jnp.float32)


def _tc_mid_body(p_ref, nd_ref, ns_ref, b_ref, w_ref, o_ref):
    h = (p_ref[0] + p_ref[1]) * nd_ref[...] + b_ref[...]
    h = jnp.maximum(h, 0.0) * ns_ref[...]
    o_ref[...] = jnp.dot(h, w_ref[...], preferred_element_type=jnp.float32)


def _tc_final_body(p_ref, nd_ref, b_ref, o_ref):
    o_ref[...] = (p_ref[0] + p_ref[1]) * nd_ref[...] + b_ref[...]


_row_spec = pl.BlockSpec((_BR, D), lambda i: (i, 0))
_p_spec = pl.BlockSpec((2, _BR, D), lambda i: (0, i, 0))
_w_spec = pl.BlockSpec((D, D), lambda i: (0, 0))
_b_spec = pl.BlockSpec((1, D), lambda i: (0, 0))

_tc_first = pl.pallas_call(
    _tc_first_body, grid=(_GRID,),
    in_specs=[_row_spec, _row_spec, _w_spec],
    out_specs=_row_spec,
    out_shape=jax.ShapeDtypeStruct((NA, D), jnp.float32),
)

_tc_mid = pl.pallas_call(
    _tc_mid_body, grid=(_GRID,),
    in_specs=[_p_spec, _row_spec, _row_spec, _b_spec, _w_spec],
    out_specs=_row_spec,
    out_shape=jax.ShapeDtypeStruct((NA, D), jnp.float32),
)

_tc_final = pl.pallas_call(
    _tc_final_body, grid=(_GRID,),
    in_specs=[_p_spec, _row_spec, _b_spec],
    out_specs=_row_spec,
    out_shape=jax.ShapeDtypeStruct((NA, D), jnp.float32),
)


def kernel(x, edge_index, W1, b1, W2, b2, W3, b3):
    src = edge_index[0]
    dst = edge_index[1]
    npad = EP - E
    ar = jnp.arange(npad, dtype=jnp.int32)
    padh = (N + (ar % (NH - N))).astype(jnp.int32)
    srcb = jnp.concatenate([src, padh]).reshape(NW, NCH, CHUNK)
    dstb = jnp.concatenate([dst, padh]).reshape(NW, NCH, CHUNK)
    pads = (ar * 521) % N
    padd = (N + (ar % (NA - N))).astype(jnp.int32)
    src2 = jnp.concatenate([src, pads]).reshape(NW, NCH, CHUNK)
    dst2 = jnp.concatenate([dst, padd]).reshape(NW, NCH, CHUNK)
    ones_rows = jnp.ones((CHUNK, D), jnp.float32)
    zrows_h = jnp.zeros((HSLAB, D), jnp.float32)
    zrows_a = jnp.zeros((SLAB, D), jnp.float32)

    hist = _sc_degrees(srcb, dstb, ones_rows, zrows_h)
    deg = hist.sum(axis=0)[:, :NA, 0]
    norm = jnp.where(deg > 0, lax.rsqrt(jnp.maximum(deg, 1.0)), 0.0)
    ns = jnp.broadcast_to(norm[0][:, None], (NA, D))
    nd = jnp.broadcast_to(norm[1][:, None], (NA, D))
    x_pad = jnp.zeros((NA, D), x.dtype).at[:N].set(x)

    b1r = b1.reshape(1, D)
    b2r = b2.reshape(1, D)
    b3r = b3.reshape(1, D)

    g = _tc_first(x_pad, ns, W1)
    p = _sc_spmm(g, src2, dst2, zrows_a)
    g = _tc_mid(p, nd, ns, b1r, W2)
    p = _sc_spmm(g, src2, dst2, zrows_a)
    g = _tc_mid(p, nd, ns, b2r, W3)
    p = _sc_spmm(g, src2, dst2, zrows_a)
    return _tc_final(p, nd, b3r)[:N]

# --- scband reference (transcript-rebuilt; emitter-appended) ---
"""Pipeline reference for scband-gcn-16157666967946 (READ-ONLY COPY).

The authoritative reference and input builder live on the scoring server;
editing this copy changes nothing except your own understanding.
"""

import jax, jax.numpy as jnp
import numpy as np

N_NODES = 10000
N_EDGES = 320000
D_IN = 128
D_HID = 128
D_OUT = 128


def setup_inputs(seed: int = 0) -> dict:
    key = jax.random.key(seed)
    ks = jax.random.split(key, 9)
    x = jax.random.normal(ks[0], (N_NODES, D_IN), dtype=jnp.float32)
    edge_index = jax.random.randint(ks[1], (2, N_EDGES), 0, N_NODES, dtype=jnp.int32)
    # GraphConv weights (xavier-ish scale) and biases for 3 layers:
    # GraphConv(128->128, relu), GraphConv(128->128, relu), GraphConv(128->128, none)
    W1 = jax.random.normal(ks[2], (D_IN, D_HID), dtype=jnp.float32) * (1.0 / np.sqrt(D_IN))
    b1 = jnp.zeros((D_HID,), dtype=jnp.float32)
    W2 = jax.random.normal(ks[3], (D_HID, D_HID), dtype=jnp.float32) * (1.0 / np.sqrt(D_HID))
    b2 = jnp.zeros((D_HID,), dtype=jnp.float32)
    W3 = jax.random.normal(ks[4], (D_HID, D_OUT), dtype=jnp.float32) * (1.0 / np.sqrt(D_HID))
    b3 = jnp.zeros((D_OUT,), dtype=jnp.float32)
    return {"x": x, "edge_index": edge_index, "W1": W1, "b1": b1,
            "W2": W2, "b2": b2, "W3": W3, "b3": b3}


def _graph_conv(h, src, dst, W, b, apply_relu):
    # DGL GraphConv with norm='both' (symmetric normalization):
    # out = D_in^{-1/2} * A^T * (D_out^{-1/2} * h) @ W + b
    ones = jnp.ones(src.shape[0], dtype=h.dtype)
    out_deg = jax.ops.segment_sum(ones, src, num_segments=N_NODES)
    in_deg = jax.ops.segment_sum(ones, dst, num_segments=N_NODES)
    norm_src = jnp.where(out_deg > 0, jax.lax.rsqrt(jnp.maximum(out_deg, 1.0)), 0.0)
    norm_dst = jnp.where(in_deg > 0, jax.lax.rsqrt(jnp.maximum(in_deg, 1.0)), 0.0)
    h = h * norm_src[:, None]
    msgs = jnp.take(h, src, axis=0)                      # gather over edges
    agg = jax.ops.segment_sum(msgs, dst, num_segments=N_NODES)  # scatter-add
    agg = agg * norm_dst[:, None]
    out = agg @ W + b
    if apply_relu:
        out = jax.nn.relu(out)
    return out


def reference(x, edge_index, W1, b1, W2, b2, W3, b3):
    src = edge_index[0]
    dst = edge_index[1]
    # dropout=0 (default), so dropout layers are identity
    h = _graph_conv(x, src, dst, W1, b1, True)
    h = _graph_conv(h, src, dst, W2, b2, True)
    h = _graph_conv(h, src, dst, W3, b3, False)
    return h

if __name__ == "__main__":
    import jax
    _d = setup_inputs()
    print(jax.jit(kernel)(*tuple(_d.values())))

</pallas_src>

<mosaic_0001>
#map = affine_map<(d0, d1) -> (0, 0, 0)>
#map1 = affine_map<(d0, d1) -> (0, 0)>
#map2 = affine_map<(d0, d1) -> (0, 0, 0, 0)>
module attributes {stable_mosaic.version = 14 : i64} {
  func.func @_sc_degrees(%arg0: i32, %arg1: i32, %arg2: memref<32x80x128xi32, #tpu.memory_space<hbm>>, %arg3: memref<32x80x128xi32, #tpu.memory_space<hbm>>, %arg4: memref<128x128xf32, #tpu.memory_space<hbm>>, %arg5: memref<640x128xf32, #tpu.memory_space<hbm>>, %arg6: memref<2x2x10240x128xf32, #tpu.memory_space<hbm>>, %arg7: memref<80x128xi32, #tpu.memory_space<vmem>>, %arg8: memref<80x128xi32, #tpu.memory_space<vmem>>, %arg9: memref<128x128xf32, #tpu.memory_space<vmem>>, %arg10: memref<10240x128xf32, #tpu.memory_space<vmem_shared>>) attributes {dimension_semantics = [#tpu.dimension_semantics<core_parallel>, #tpu.dimension_semantics<subcore_parallel>], iteration_bounds = array<i64: 2, 16>, scalar_prefetch = 0 : i64, scratch_operands = 4 : i64, tpu.core_type = #tpu.core_type<sc_vector_subcore>, window_params = [{transform_indices = #map}, {transform_indices = #map}, {transform_indices = #map1}, {transform_indices = #map1}, {transform_indices = #map2}]} {
    %mul3A = arith.constant 16 : i32
    %mul3A_0 = arith.muli %arg0, %mul3A : i32
    %add3A = arith.addi %mul3A_0, %arg1 : i32
    "tpu.region"() ({
      %run_scoped3A_16 = tpu.sem_alloc : memref<!tpu.dma_semaphore, #tpu.memory_space<semaphore_mem>>
      %dma_start3A = arith.constant 0 : i32
      %dma_start3A_17 = arith.constant 0 : i32
      %dma_start3A_18 = tpu.memref_slice %arg2[%add3A, %dma_start3A, %dma_start3A_17] : memref<32x80x128xi32, #tpu.memory_space<hbm>> -> memref<1x80x128xi32, #tpu.memory_space<hbm>>
      %dma_start3A_19 = tpu.memref_squeeze %dma_start3A_18 : memref<1x80x128xi32, #tpu.memory_space<hbm>> -> memref<80x128xi32, #tpu.memory_space<hbm>>
      %dma_start3A_20 = arith.constant 0 : i32
      %dma_start3A_21 = arith.constant 0 : i32
      %dma_start3A_22 = tpu.memref_slice %arg2[%add3A, %dma_start3A_20, %dma_start3A_21] : memref<32x80x128xi32, #tpu.memory_space<hbm>> -> memref<1x80x128xi32, #tpu.memory_space<hbm>>
      %dma_start3A_23 = tpu.memref_squeeze %dma_start3A_22 : memref<1x80x128xi32, #tpu.memory_space<hbm>> -> memref<80x128xi32, #tpu.memory_space<hbm>>
      tpu.enqueue_dma source(%dma_start3A_23 : memref<80x128xi32, #tpu.memory_space<hbm>>) target(%arg7 : memref<80x128xi32, #tpu.memory_space<vmem>>) target_semaphore(%run_scoped3A_16 : memref<!tpu.dma_semaphore, #tpu.memory_space<semaphore_mem>>)
      %dma_wait3A = arith.constant 0 : i32
      %dma_wait3A_24 = arith.constant 0 : i32
      %dma_wait3A_25 = tpu.memref_slice %arg2[%add3A, %dma_wait3A, %dma_wait3A_24] : memref<32x80x128xi32, #tpu.memory_space<hbm>> -> memref<1x80x128xi32, #tpu.memory_space<hbm>>
      %dma_wait3A_26 = tpu.memref_squeeze %dma_wait3A_25 : memref<1x80x128xi32, #tpu.memory_space<hbm>> -> memref<80x128xi32, #tpu.memory_space<hbm>>
      %dma_wait3A_27 = arith.constant 0 : i32
      %dma_wait3A_28 = arith.constant 0 : i32
      %dma_wait3A_29 = tpu.memref_slice %arg2[%add3A, %dma_wait3A_27, %dma_wait3A_28] : memref<32x80x128xi32, #tpu.memory_space<hbm>> -> memref<1x80x128xi32, #tpu.memory_space<hbm>>
      %dma_wait3A_30 = tpu.memref_squeeze %dma_wait3A_29 : memref<1x80x128xi32, #tpu.memory_space<hbm>> -> memref<80x128xi32, #tpu.memory_space<hbm>>
      tpu.wait_dma2 semaphore(%run_scoped3A_16 : memref<!tpu.dma_semaphore, #tpu.memory_space<semaphore_mem>>) src(%dma_wait3A_30 : memref<80x128xi32, #tpu.memory_space<hbm>>) dst(%arg7 : memref<80x128xi32, #tpu.memory_space<vmem>>)
      tpu.yield
    }) : () -> ()
    "tpu.region"() ({
      %run_scoped3A_16 = tpu.sem_alloc : memref<!tpu.dma_semaphore, #tpu.memory_space<semaphore_mem>>
      %dma_start3A = arith.constant 0 : i32
      %dma_start3A_17 = arith.constant 0 : i32
      %dma_start3A_18 = tpu.memref_slice %arg3[%add3A, %dma_start3A, %dma_start3A_17] : memref<32x80x128xi32, #tpu.memory_space<hbm>> -> memref<1x80x128xi32, #tpu.memory_space<hbm>>
      %dma_start3A_19 = tpu.memref_squeeze %dma_start3A_18 : memref<1x80x128xi32, #tpu.memory_space<hbm>> -> memref<80x128xi32, #tpu.memory_space<hbm>>
      %dma_start3A_20 = arith.constant 0 : i32
      %dma_start3A_21 = arith.constant 0 : i32
      %dma_start3A_22 = tpu.memref_slice %arg3[%add3A, %dma_start3A_20, %dma_start3A_21] : memref<32x80x128xi32, #tpu.memory_space<hbm>> -> memref<1x80x128xi32, #tpu.memory_space<hbm>>
      %dma_start3A_23 = tpu.memref_squeeze %dma_start3A_22 : memref<1x80x128xi32, #tpu.memory_space<hbm>> -> memref<80x128xi32, #tpu.memory_space<hbm>>
      tpu.enqueue_dma source(%dma_start3A_23 : memref<80x128xi32, #tpu.memory_space<hbm>>) target(%arg8 : memref<80x128xi32, #tpu.memory_space<vmem>>) target_semaphore(%run_scoped3A_16 : memref<!tpu.dma_semaphore, #tpu.memory_space<semaphore_mem>>)
      %dma_wait3A = arith.constant 0 : i32
      %dma_wait3A_24 = arith.constant 0 : i32
      %dma_wait3A_25 = tpu.memref_slice %arg3[%add3A, %dma_wait3A, %dma_wait3A_24] : memref<32x80x128xi32, #tpu.memory_space<hbm>> -> memref<1x80x128xi32, #tpu.memory_space<hbm>>
      %dma_wait3A_26 = tpu.memref_squeeze %dma_wait3A_25 : memref<1x80x128xi32, #tpu.memory_space<hbm>> -> memref<80x128xi32, #tpu.memory_space<hbm>>
      %dma_wait3A_27 = arith.constant 0 : i32
      %dma_wait3A_28 = arith.constant 0 : i32
      %dma_wait3A_29 = tpu.memref_slice %arg3[%add3A, %dma_wait3A_27, %dma_wait3A_28] : memref<32x80x128xi32, #tpu.memory_space<hbm>> -> memref<1x80x128xi32, #tpu.memory_space<hbm>>
      %dma_wait3A_30 = tpu.memref_squeeze %dma_wait3A_29 : memref<1x80x128xi32, #tpu.memory_space<hbm>> -> memref<80x128xi32, #tpu.memory_space<hbm>>
      tpu.wait_dma2 semaphore(%run_scoped3A_16 : memref<!tpu.dma_semaphore, #tpu.memory_space<semaphore_mem>>) src(%dma_wait3A_30 : memref<80x128xi32, #tpu.memory_space<hbm>>) dst(%arg8 : memref<80x128xi32, #tpu.memory_space<vmem>>)
      tpu.yield
    }) : () -> ()
    "tpu.region"() ({
      %run_scoped3A_16 = tpu.sem_alloc : memref<!tpu.dma_semaphore, #tpu.memory_space<semaphore_mem>>
      tpu.enqueue_dma source(%arg4 : memref<128x128xf32, #tpu.memory_space<hbm>>) target(%arg9 : memref<128x128xf32, #tpu.memory_space<vmem>>) target_semaphore(%run_scoped3A_16 : memref<!tpu.dma_semaphore, #tpu.memory_space<semaphore_mem>>)
      tpu.wait_dma2 semaphore(%run_scoped3A_16 : memref<!tpu.dma_semaphore, #tpu.memory_space<semaphore_mem>>) src(%arg4 : memref<128x128xf32, #tpu.memory_space<hbm>>) dst(%arg9 : memref<128x128xf32, #tpu.memory_space<vmem>>)
      tpu.yield
    }) : () -> ()
    %mul3A_1 = arith.constant 640 : i32
    %mul3A_2 = arith.muli %arg1, %mul3A_1 : i32
    "tpu.region"() ({
      %run_scoped3A_16 = tpu.sem_alloc : memref<!tpu.dma_semaphore, #tpu.memory_space<semaphore_mem>>
      %dma_start3A = arith.constant 0 : i32
      %dma_start3A_17 = tpu.memref_slice %arg10[%mul3A_2, %dma_start3A] : memref<10240x128xf32, #tpu.memory_space<vmem_shared>> -> memref<640x128xf32, #tpu.memory_space<vmem_shared>>
      tpu.enqueue_dma source(%arg5 : memref<640x128xf32, #tpu.memory_space<hbm>>) target(%dma_start3A_17 : memref<640x128xf32, #tpu.memory_space<vmem_shared>>) target_semaphore(%run_scoped3A_16 : memref<!tpu.dma_semaphore, #tpu.memory_space<semaphore_mem>>)
      %dma_wait3A = arith.constant 0 : i32
      %dma_wait3A_18 = tpu.memref_slice %arg10[%mul3A_2, %dma_wait3A] : memref<10240x128xf32, #tpu.memory_space<vmem_shared>> -> memref<640x128xf32, #tpu.memory_space<vmem_shared>>
      tpu.wait_dma2 semaphore(%run_scoped3A_16 : memref<!tpu.dma_semaphore, #tpu.memory_space<semaphore_mem>>) src(%arg5 : memref<640x128xf32, #tpu.memory_space<hbm>>) dst(%dma_wait3A_18 : memref<640x128xf32, #tpu.memory_space<vmem_shared>>)
      tpu.yield
    }) : () -> ()
    %barrier3A = arith.constant 0 : index
    tpu.barrier barrier_id(%barrier3A)
    %scan3A = arith.constant 0 : i32
    %scan3A_3 = arith.constant 80 : i32
    %scan3A_4 = arith.addi %scan3A, %scan3A_3 : i32
    %scan3A_5 = arith.constant 1 : i32
    scf.for %scan3A_16 = %scan3A to %scan3A_4 step %scan3A_5  : i32 {
      "tpu.region"() ({
        %run_scoped3A_17 = tpu.sem_alloc : memref<!tpu.dma_semaphore, #tpu.memory_space<semaphore_mem>>
        %dma_start3A = arith.constant 0 : i32
        %dma_start3A_18 = tpu.memref_slice %arg7[%scan3A_16, %dma_start3A] : memref<80x128xi32, #tpu.memory_space<vmem>> -> memref<1x128xi32, #tpu.memory_space<vmem>>
        %dma_start3A_19 = tpu.memref_squeeze %dma_start3A_18 : memref<1x128xi32, #tpu.memory_space<vmem>> -> memref<128xi32, #tpu.memory_space<vmem>>
        %dma_start3A_20 = arith.constant 0 : i32
        %dma_start3A_21 = arith.constant 0 : i32
        %dma_start3A_22 = tpu.memref_slice %arg10[%dma_start3A_20, %dma_start3A_21] : memref<10240x128xf32, #tpu.memory_space<vmem_shared>> -> memref<10240x128xf32, #tpu.memory_space<vmem_shared>>
        tpu.enqueue_indirect_dma source(%arg9 : memref<128x128xf32, #tpu.memory_space<vmem>>) target(%dma_start3A_22 : memref<10240x128xf32, #tpu.memory_space<vmem_shared>>) offsets(%dma_start3A_19 : memref<128xi32, #tpu.memory_space<vmem>>) semaphore(%run_scoped3A_17 : memref<!tpu.dma_semaphore, #tpu.memory_space<semaphore_mem>>) {add = true}
        %dma_wait3A = arith.constant 0 : i32
        %dma_wait3A_23 = tpu.memref_slice %arg7[%scan3A_16, %dma_wait3A] : memref<80x128xi32, #tpu.memory_space<vmem>> -> memref<1x128xi32, #tpu.memory_space<vmem>>
        %dma_wait3A_24 = tpu.memref_squeeze %dma_wait3A_23 : memref<1x128xi32, #tpu.memory_space<vmem>> -> memref<128xi32, #tpu.memory_space<vmem>>
        %dma_wait3A_25 = arith.constant 0 : i32
        %dma_wait3A_26 = arith.constant 0 : i32
        %dma_wait3A_27 = tpu.memref_slice %arg10[%dma_wait3A_25, %dma_wait3A_26] : memref<10240x128xf32, #tpu.memory_space<vmem_shared>> -> memref<10240x128xf32, #tpu.memory_space<vmem_shared>>
        tpu.wait_indirect_dma semaphore(%run_scoped3A_17 : memref<!tpu.dma_semaphore, #tpu.memory_space<semaphore_mem>>) src(%arg9 : memref<128x128xf32, #tpu.memory_space<vmem>>) dst(%dma_wait3A_27 : memref<10240x128xf32, #tpu.memory_space<vmem_shared>>)
        tpu.yield
      }) : () -> ()
    }
    %scan3A_6 = arith.constant 80 : i32
    %barrier3A_7 = arith.constant 0 : index
    tpu.barrier barrier_id(%barrier3A_7)
    %run_scoped3A = arith.constant 0 : i32
    "tpu.region"() ({
      %run_scoped3A_16 = tpu.sem_alloc : memref<!tpu.dma_semaphore, #tpu.memory_space<semaphore_mem>>
      %dma_start3A = arith.constant 0 : i32
      %dma_start3A_17 = tpu.memref_slice %arg6[%arg0, %run_scoped3A, %mul3A_2, %dma_start3A] : memref<2x2x10240x128xf32, #tpu.memory_space<hbm>> -> memref<1x1x640x128xf32, #tpu.memory_space<hbm>>
      %dma_start3A_18 = tpu.memref_squeeze %dma_start3A_17 : memref<1x1x640x128xf32, #tpu.memory_space<hbm>> -> memref<640x128xf32, #tpu.memory_space<hbm>>
      %dma_start3A_19 = arith.constant 0 : i32
      %dma_start3A_20 = tpu.memref_slice %arg10[%mul3A_2, %dma_start3A_19] : memref<10240x128xf32, #tpu.memory_space<vmem_shared>> -> memref<640x128xf32, #tpu.memory_space<vmem_shared>>
      tpu.enqueue_dma source(%dma_start3A_20 : memref<640x128xf32, #tpu.memory_space<vmem_shared>>) target(%dma_start3A_18 : memref<640x128xf32, #tpu.memory_space<hbm>>) target_semaphore(%run_scoped3A_16 : memref<!tpu.dma_semaphore, #tpu.memory_space<semaphore_mem>>)
      %dma_wait3A = arith.constant 0 : i32
      %dma_wait3A_21 = tpu.memref_slice %arg6[%arg0, %run_scoped3A, %mul3A_2, %dma_wait3A] : memref<2x2x10240x128xf32, #tpu.memory_space<hbm>> -> memref<1x1x640x128xf32, #tpu.memory_space<hbm>>
      %dma_wait3A_22 = tpu.memref_squeeze %dma_wait3A_21 : memref<1x1x640x128xf32, #tpu.memory_space<hbm>> -> memref<640x128xf32, #tpu.memory_space<hbm>>
      %dma_wait3A_23 = arith.constant 0 : i32
      %dma_wait3A_24 = tpu.memref_slice %arg10[%mul3A_2, %dma_wait3A_23] : memref<10240x128xf32, #tpu.memory_space<vmem_shared>> -> memref<640x128xf32, #tpu.memory_space<vmem_shared>>
      tpu.wait_dma2 semaphore(%run_scoped3A_16 : memref<!tpu.dma_semaphore, #tpu.memory_space<semaphore_mem>>) src(%dma_wait3A_24 : memref<640x128xf32, #tpu.memory_space<vmem_shared>>) dst(%dma_wait3A_22 : memref<640x128xf32, #tpu.memory_space<hbm>>)
      tpu.yield
    }) : () -> ()
    "tpu.region"() ({
      %run_scoped3A_16 = tpu.sem_alloc : memref<!tpu.dma_semaphore, #tpu.memory_space<semaphore_mem>>
      %dma_start3A = arith.constant 0 : i32
      %dma_start3A_17 = tpu.memref_slice %arg10[%mul3A_2, %dma_start3A] : memref<10240x128xf32, #tpu.memory_space<vmem_shared>> -> memref<640x128xf32, #tpu.memory_space<vmem_shared>>
      tpu.enqueue_dma source(%arg5 : memref<640x128xf32, #tpu.memory_space<hbm>>) target(%dma_start3A_17 : memref<640x128xf32, #tpu.memory_space<vmem_shared>>) target_semaphore(%run_scoped3A_16 : memref<!tpu.dma_semaphore, #tpu.memory_space<semaphore_mem>>)
      %dma_wait3A = arith.constant 0 : i32
      %dma_wait3A_18 = tpu.memref_slice %arg10[%mul3A_2, %dma_wait3A] : memref<10240x128xf32, #tpu.memory_space<vmem_shared>> -> memref<640x128xf32, #tpu.memory_space<vmem_shared>>
      tpu.wait_dma2 semaphore(%run_scoped3A_16 : memref<!tpu.dma_semaphore, #tpu.memory_space<semaphore_mem>>) src(%arg5 : memref<640x128xf32, #tpu.memory_space<hbm>>) dst(%dma_wait3A_18 : memref<640x128xf32, #tpu.memory_space<vmem_shared>>)
      tpu.yield
    }) : () -> ()
    %barrier3A_8 = arith.constant 0 : index
    tpu.barrier barrier_id(%barrier3A_8)
    %scan3A_9 = arith.constant 0 : i32
    %scan3A_10 = arith.constant 80 : i32
    %scan3A_11 = arith.addi %scan3A_9, %scan3A_10 : i32
    %scan3A_12 = arith.constant 1 : i32
    scf.for %scan3A_16 = %scan3A_9 to %scan3A_11 step %scan3A_12  : i32 {
      "tpu.region"() ({
        %run_scoped3A_17 = tpu.sem_alloc : memref<!tpu.dma_semaphore, #tpu.memory_space<semaphore_mem>>
        %dma_start3A = arith.constant 0 : i32
        %dma_start3A_18 = tpu.memref_slice %arg8[%scan3A_16, %dma_start3A] : memref<80x128xi32, #tpu.memory_space<vmem>> -> memref<1x128xi32, #tpu.memory_space<vmem>>
        %dma_start3A_19 = tpu.memref_squeeze %dma_start3A_18 : memref<1x128xi32, #tpu.memory_space<vmem>> -> memref<128xi32, #tpu.memory_space<vmem>>
        %dma_start3A_20 = arith.constant 0 : i32
        %dma_start3A_21 = arith.constant 0 : i32
        %dma_start3A_22 = tpu.memref_slice %arg10[%dma_start3A_20, %dma_start3A_21] : memref<10240x128xf32, #tpu.memory_space<vmem_shared>> -> memref<10240x128xf32, #tpu.memory_space<vmem_shared>>
        tpu.enqueue_indirect_dma source(%arg9 : memref<128x128xf32, #tpu.memory_space<vmem>>) target(%dma_start3A_22 : memref<10240x128xf32, #tpu.memory_space<vmem_shared>>) offsets(%dma_start3A_19 : memref<128xi32, #tpu.memory_space<vmem>>) semaphore(%run_scoped3A_17 : memref<!tpu.dma_semaphore, #tpu.memory_space<semaphore_mem>>) {add = true}
        %dma_wait3A = arith.constant 0 : i32
        %dma_wait3A_23 = tpu.memref_slice %arg8[%scan3A_16, %dma_wait3A] : memref<80x128xi32, #tpu.memory_space<vmem>> -> memref<1x128xi32, #tpu.memory_space<vmem>>
        %dma_wait3A_24 = tpu.memref_squeeze %dma_wait3A_23 : memref<1x128xi32, #tpu.memory_space<vmem>> -> memref<128xi32, #tpu.memory_space<vmem>>
        %dma_wait3A_25 = arith.constant 0 : i32
        %dma_wait3A_26 = arith.constant 0 : i32
        %dma_wait3A_27 = tpu.memref_slice %arg10[%dma_wait3A_25, %dma_wait3A_26] : memref<10240x128xf32, #tpu.memory_space<vmem_shared>> -> memref<10240x128xf32, #tpu.memory_space<vmem_shared>>
        tpu.wait_indirect_dma semaphore(%run_scoped3A_17 : memref<!tpu.dma_semaphore, #tpu.memory_space<semaphore_mem>>) src(%arg9 : memref<128x128xf32, #tpu.memory_space<vmem>>) dst(%dma_wait3A_27 : memref<10240x128xf32, #tpu.memory_space<vmem_shared>>)
        tpu.yield
      }) : () -> ()
    }
    %scan3A_13 = arith.constant 80 : i32
    %barrier3A_14 = arith.constant 0 : index
    tpu.barrier barrier_id(%barrier3A_14)
    %run_scoped3A_15 = arith.constant 1 : i32
    "tpu.region"() ({
      %run_scoped3A_16 = tpu.sem_alloc : memref<!tpu.dma_semaphore, #tpu.memory_space<semaphore_mem>>
      %dma_start3A = arith.constant 0 : i32
      %dma_start3A_17 = tpu.memref_slice %arg6[%arg0, %run_scoped3A_15, %mul3A_2, %dma_start3A] : memref<2x2x10240x128xf32, #tpu.memory_space<hbm>> -> memref<1x1x640x128xf32, #tpu.memory_space<hbm>>
      %dma_start3A_18 = tpu.memref_squeeze %dma_start3A_17 : memref<1x1x640x128xf32, #tpu.memory_space<hbm>> -> memref<640x128xf32, #tpu.memory_space<hbm>>
      %dma_start3A_19 = arith.constant 0 : i32
      %dma_start3A_20 = tpu.memref_slice %arg10[%mul3A_2, %dma_start3A_19] : memref<10240x128xf32, #tpu.memory_space<vmem_shared>> -> memref<640x128xf32, #tpu.memory_space<vmem_shared>>
      tpu.enqueue_dma source(%dma_start3A_20 : memref<640x128xf32, #tpu.memory_space<vmem_shared>>) target(%dma_start3A_18 : memref<640x128xf32, #tpu.memory_space<hbm>>) target_semaphore(%run_scoped3A_16 : memref<!tpu.dma_semaphore, #tpu.memory_space<semaphore_mem>>)
      %dma_wait3A = arith.constant 0 : i32
      %dma_wait3A_21 = tpu.memref_slice %arg6[%arg0, %run_scoped3A_15, %mul3A_2, %dma_wait3A] : memref<2x2x10240x128xf32, #tpu.memory_space<hbm>> -> memref<1x1x640x128xf32, #tpu.memory_space<hbm>>
      %dma_wait3A_22 = tpu.memref_squeeze %dma_wait3A_21 : memref<1x1x640x128xf32, #tpu.memory_space<hbm>> -> memref<640x128xf32, #tpu.memory_space<hbm>>
      %dma_wait3A_23 = arith.constant 0 : i32
      %dma_wait3A_24 = tpu.memref_slice %arg10[%mul3A_2, %dma_wait3A_23] : memref<10240x128xf32, #tpu.memory_space<vmem_shared>> -> memref<640x128xf32, #tpu.memory_space<vmem_shared>>
      tpu.wait_dma2 semaphore(%run_scoped3A_16 : memref<!tpu.dma_semaphore, #tpu.memory_space<semaphore_mem>>) src(%dma_wait3A_24 : memref<640x128xf32, #tpu.memory_space<vmem_shared>>) dst(%dma_wait3A_22 : memref<640x128xf32, #tpu.memory_space<hbm>>)
      tpu.yield
    }) : () -> ()
    return
  }
}

#map = affine_map<(d0, d1) -> (0, 0)>
#map1 = affine_map<(d0, d1) -> (0, 0, 0)>
module attributes {stable_mosaic.version = 14 : i64} {
  func.func @_sc_spmm(%arg0: i32, %arg1: i32, %arg2: memref<10112x128xf32, #tpu.memory_space<hbm>>, %arg3: memref<32x80x128xi32, #tpu.memory_space<hbm>>, %arg4: memref<32x80x128xi32, #tpu.memory_space<hbm>>, %arg5: memref<632x128xf32, #tpu.memory_space<hbm>>, %arg6: memref<2x10112x128xf32, #tpu.memory_space<hbm>>, %arg7: memref<80x128xi32, #tpu.memory_space<vmem>>, %arg8: memref<80x128xi32, #tpu.memory_space<vmem>>, %arg9: memref<128x128xf32, #tpu.memory_space<vmem>>, %arg10: memref<10112x128xf32, #tpu.memory_space<vmem_shared>>, %arg11: memref<!tpu.dma_semaphore, #tpu.memory_space<semaphore_mem>>) attributes {dimension_semantics = [#tpu.dimension_semantics<core_parallel>, #tpu.dimension_semantics<subcore_parallel>], iteration_bounds = array<i64: 2, 16>, scalar_prefetch = 0 : i64, scratch_operands = 5 : i64, tpu.core_type = #tpu.core_type<sc_vector_subcore>, window_params = [{transform_indices = #map}, {transform_indices = #map1}, {transform_indices = #map1}, {transform_indices = #map}, {transform_indices = #map1}]} {
    %mul3A = arith.constant 16 : i32
    %mul3A_0 = arith.muli %arg0, %mul3A : i32
    %add3A = arith.addi %mul3A_0, %arg1 : i32
    "tpu.region"() ({
      %run_scoped3A = tpu.sem_alloc : memref<!tpu.dma_semaphore, #tpu.memory_space<semaphore_mem>>
      %dma_start3A = arith.constant 0 : i32
      %dma_start3A_8 = arith.constant 0 : i32
      %dma_start3A_9 = tpu.memref_slice %arg3[%add3A, %dma_start3A, %dma_start3A_8] : memref<32x80x128xi32, #tpu.memory_space<hbm>> -> memref<1x80x128xi32, #tpu.memory_space<hbm>>
      %dma_start3A_10 = tpu.memref_squeeze %dma_start3A_9 : memref<1x80x128xi32, #tpu.memory_space<hbm>> -> memref<80x128xi32, #tpu.memory_space<hbm>>
      %dma_start3A_11 = arith.constant 0 : i32
      %dma_start3A_12 = arith.constant 0 : i32
      %dma_start3A_13 = tpu.memref_slice %arg3[%add3A, %dma_start3A_11, %dma_start3A_12] : memref<32x80x128xi32, #tpu.memory_space<hbm>> -> memref<1x80x128xi32, #tpu.memory_space<hbm>>
      %dma_start3A_14 = tpu.memref_squeeze %dma_start3A_13 : memref<1x80x128xi32, #tpu.memory_space<hbm>> -> memref<80x128xi32, #tpu.memory_space<hbm>>
      tpu.enqueue_dma source(%dma_start3A_14 : memref<80x128xi32, #tpu.memory_space<hbm>>) target(%arg7 : memref<80x128xi32, #tpu.memory_space<vmem>>) target_semaphore(%run_scoped3A : memref<!tpu.dma_semaphore, #tpu.memory_space<semaphore_mem>>)
      %dma_wait3A = arith.constant 0 : i32
      %dma_wait3A_15 = arith.constant 0 : i32
      %dma_wait3A_16 = tpu.memref_slice %arg3[%add3A, %dma_wait3A, %dma_wait3A_15] : memref<32x80x128xi32, #tpu.memory_space<hbm>> -> memref<1x80x128xi32, #tpu.memory_space<hbm>>
      %dma_wait3A_17 = tpu.memref_squeeze %dma_wait3A_16 : memref<1x80x128xi32, #tpu.memory_space<hbm>> -> memref<80x128xi32, #tpu.memory_space<hbm>>
      %dma_wait3A_18 = arith.constant 0 : i32
      %dma_wait3A_19 = arith.constant 0 : i32
      %dma_wait3A_20 = tpu.memref_slice %arg3[%add3A, %dma_wait3A_18, %dma_wait3A_19] : memref<32x80x128xi32, #tpu.memory_space<hbm>> -> memref<1x80x128xi32, #tpu.memory_space<hbm>>
      %dma_wait3A_21 = tpu.memref_squeeze %dma_wait3A_20 : memref<1x80x128xi32, #tpu.memory_space<hbm>> -> memref<80x128xi32, #tpu.memory_space<hbm>>
      tpu.wait_dma2 semaphore(%run_scoped3A : memref<!tpu.dma_semaphore, #tpu.memory_space<semaphore_mem>>) src(%dma_wait3A_21 : memref<80x128xi32, #tpu.memory_space<hbm>>) dst(%arg7 : memref<80x128xi32, #tpu.memory_space<vmem>>)
      tpu.yield
    }) : () -> ()
    "tpu.region"() ({
      %run_scoped3A = tpu.sem_alloc : memref<!tpu.dma_semaphore, #tpu.memory_space<semaphore_mem>>
      %dma_start3A = arith.constant 0 : i32
      %dma_start3A_8 = arith.constant 0 : i32
      %dma_start3A_9 = tpu.memref_slice %arg4[%add3A, %dma_start3A, %dma_start3A_8] : memref<32x80x128xi32, #tpu.memory_space<hbm>> -> memref<1x80x128xi32, #tpu.memory_space<hbm>>
      %dma_start3A_10 = tpu.memref_squeeze %dma_start3A_9 : memref<1x80x128xi32, #tpu.memory_space<hbm>> -> memref<80x128xi32, #tpu.memory_space<hbm>>
      %dma_start3A_11 = arith.constant 0 : i32
      %dma_start3A_12 = arith.constant 0 : i32
      %dma_start3A_13 = tpu.memref_slice %arg4[%add3A, %dma_start3A_11, %dma_start3A_12] : memref<32x80x128xi32, #tpu.memory_space<hbm>> -> memref<1x80x128xi32, #tpu.memory_space<hbm>>
      %dma_start3A_14 = tpu.memref_squeeze %dma_start3A_13 : memref<1x80x128xi32, #tpu.memory_space<hbm>> -> memref<80x128xi32, #tpu.memory_space<hbm>>
      tpu.enqueue_dma source(%dma_start3A_14 : memref<80x128xi32, #tpu.memory_space<hbm>>) target(%arg8 : memref<80x128xi32, #tpu.memory_space<vmem>>) target_semaphore(%run_scoped3A : memref<!tpu.dma_semaphore, #tpu.memory_space<semaphore_mem>>)
      %dma_wait3A = arith.constant 0 : i32
      %dma_wait3A_15 = arith.constant 0 : i32
      %dma_wait3A_16 = tpu.memref_slice %arg4[%add3A, %dma_wait3A, %dma_wait3A_15] : memref<32x80x128xi32, #tpu.memory_space<hbm>> -> memref<1x80x128xi32, #tpu.memory_space<hbm>>
      %dma_wait3A_17 = tpu.memref_squeeze %dma_wait3A_16 : memref<1x80x128xi32, #tpu.memory_space<hbm>> -> memref<80x128xi32, #tpu.memory_space<hbm>>
      %dma_wait3A_18 = arith.constant 0 : i32
      %dma_wait3A_19 = arith.constant 0 : i32
      %dma_wait3A_20 = tpu.memref_slice %arg4[%add3A, %dma_wait3A_18, %dma_wait3A_19] : memref<32x80x128xi32, #tpu.memory_space<hbm>> -> memref<1x80x128xi32, #tpu.memory_space<hbm>>
      %dma_wait3A_21 = tpu.memref_squeeze %dma_wait3A_20 : memref<1x80x128xi32, #tpu.memory_space<hbm>> -> memref<80x128xi32, #tpu.memory_space<hbm>>
      tpu.wait_dma2 semaphore(%run_scoped3A : memref<!tpu.dma_semaphore, #tpu.memory_space<semaphore_mem>>) src(%dma_wait3A_21 : memref<80x128xi32, #tpu.memory_space<hbm>>) dst(%arg8 : memref<80x128xi32, #tpu.memory_space<vmem>>)
      tpu.yield
    }) : () -> ()
    %mul3A_1 = arith.constant 632 : i32
    %mul3A_2 = arith.muli %arg1, %mul3A_1 : i32
    "tpu.region"() ({
      %run_scoped3A = tpu.sem_alloc : memref<!tpu.dma_semaphore, #tpu.memory_space<semaphore_mem>>
      %dma_start3A = arith.constant 0 : i32
      %dma_start3A_8 = tpu.memref_slice %arg10[%mul3A_2, %dma_start3A] : memref<10112x128xf32, #tpu.memory_space<vmem_shared>> -> memref<632x128xf32, #tpu.memory_space<vmem_shared>>
      tpu.enqueue_dma source(%arg5 : memref<632x128xf32, #tpu.memory_space<hbm>>) target(%dma_start3A_8 : memref<632x128xf32, #tpu.memory_space<vmem_shared>>) target_semaphore(%run_scoped3A : memref<!tpu.dma_semaphore, #tpu.memory_space<semaphore_mem>>)
      %dma_wait3A = arith.constant 0 : i32
      %dma_wait3A_9 = tpu.memref_slice %arg10[%mul3A_2, %dma_wait3A] : memref<10112x128xf32, #tpu.memory_space<vmem_shared>> -> memref<632x128xf32, #tpu.memory_space<vmem_shared>>
      tpu.wait_dma2 semaphore(%run_scoped3A : memref<!tpu.dma_semaphore, #tpu.memory_space<semaphore_mem>>) src(%arg5 : memref<632x128xf32, #tpu.memory_space<hbm>>) dst(%dma_wait3A_9 : memref<632x128xf32, #tpu.memory_space<vmem_shared>>)
      tpu.yield
    }) : () -> ()
    %barrier3A = arith.constant 0 : index
    tpu.barrier barrier_id(%barrier3A)
    %scan3A = arith.constant 0 : i32
    %scan3A_3 = arith.constant 80 : i32
    %scan3A_4 = arith.addi %scan3A, %scan3A_3 : i32
    %scan3A_5 = arith.constant 1 : i32
    scf.for %scan3A_8 = %scan3A to %scan3A_4 step %scan3A_5  : i32 {
      %dma_start3A = arith.constant 0 : i32
      %dma_start3A_9 = tpu.memref_slice %arg7[%scan3A_8, %dma_start3A] : memref<80x128xi32, #tpu.memory_space<vmem>> -> memref<1x128xi32, #tpu.memory_space<vmem>>
      %dma_start3A_10 = tpu.memref_squeeze %dma_start3A_9 : memref<1x128xi32, #tpu.memory_space<vmem>> -> memref<128xi32, #tpu.memory_space<vmem>>
      %dma_start3A_11 = arith.constant 0 : i32
      %dma_start3A_12 = arith.constant 0 : i32
      %dma_start3A_13 = tpu.memref_slice %arg2[%dma_start3A_11, %dma_start3A_12] : memref<10112x128xf32, #tpu.memory_space<hbm>> -> memref<10112x128xf32, #tpu.memory_space<hbm>>
      tpu.enqueue_indirect_dma source(%dma_start3A_13 : memref<10112x128xf32, #tpu.memory_space<hbm>>) target(%arg9 : memref<128x128xf32, #tpu.memory_space<vmem>>) offsets(%dma_start3A_10 : memref<128xi32, #tpu.memory_space<vmem>>) semaphore(%arg11 : memref<!tpu.dma_semaphore, #tpu.memory_space<semaphore_mem>>)
      %dma_wait3A = arith.constant 0 : i32
      %dma_wait3A_14 = tpu.memref_slice %arg7[%scan3A_8, %dma_wait3A] : memref<80x128xi32, #tpu.memory_space<vmem>> -> memref<1x128xi32, #tpu.memory_space<vmem>>
      %dma_wait3A_15 = tpu.memref_squeeze %dma_wait3A_14 : memref<1x128xi32, #tpu.memory_space<vmem>> -> memref<128xi32, #tpu.memory_space<vmem>>
      %dma_wait3A_16 = arith.constant 0 : i32
      %dma_wait3A_17 = arith.constant 0 : i32
      %dma_wait3A_18 = tpu.memref_slice %arg2[%dma_wait3A_16, %dma_wait3A_17] : memref<10112x128xf32, #tpu.memory_space<hbm>> -> memref<10112x128xf32, #tpu.memory_space<hbm>>
      tpu.wait_indirect_dma semaphore(%arg11 : memref<!tpu.dma_semaphore, #tpu.memory_space<semaphore_mem>>) src(%dma_wait3A_18 : memref<10112x128xf32, #tpu.memory_space<hbm>>) dst(%arg9 : memref<128x128xf32, #tpu.memory_space<vmem>>)
      "tpu.region"() ({
        %run_scoped3A = tpu.sem_alloc : memref<!tpu.dma_semaphore, #tpu.memory_space<semaphore_mem>>
        %dma_start3A_19 = arith.constant 0 : i32
        %dma_start3A_20 = tpu.memref_slice %arg8[%scan3A_8, %dma_start3A_19] : memref<80x128xi32, #tpu.memory_space<vmem>> -> memref<1x128xi32, #tpu.memory_space<vmem>>
        %dma_start3A_21 = tpu.memref_squeeze %dma_start3A_20 : memref<1x128xi32, #tpu.memory_space<vmem>> -> memref<128xi32, #tpu.memory_space<vmem>>
        %dma_start3A_22 = arith.constant 0 : i32
        %dma_start3A_23 = arith.constant 0 : i32
        %dma_start3A_24 = tpu.memref_slice %arg10[%dma_start3A_22, %dma_start3A_23] : memref<10112x128xf32, #tpu.memory_space<vmem_shared>> -> memref<10112x128xf32, #tpu.memory_space<vmem_shared>>
        tpu.enqueue_indirect_dma source(%arg9 : memref<128x128xf32, #tpu.memory_space<vmem>>) target(%dma_start3A_24 : memref<10112x128xf32, #tpu.memory_space<vmem_shared>>) offsets(%dma_start3A_21 : memref<128xi32, #tpu.memory_space<vmem>>) semaphore(%run_scoped3A : memref<!tpu.dma_semaphore, #tpu.memory_space<semaphore_mem>>) {add = true}
        %dma_wait3A_25 = arith.constant 0 : i32
        %dma_wait3A_26 = tpu.memref_slice %arg8[%scan3A_8, %dma_wait3A_25] : memref<80x128xi32, #tpu.memory_space<vmem>> -> memref<1x128xi32, #tpu.memory_space<vmem>>
        %dma_wait3A_27 = tpu.memref_squeeze %dma_wait3A_26 : memref<1x128xi32, #tpu.memory_space<vmem>> -> memref<128xi32, #tpu.memory_space<vmem>>
        %dma_wait3A_28 = arith.constant 0 : i32
        %dma_wait3A_29 = arith.constant 0 : i32
        %dma_wait3A_30 = tpu.memref_slice %arg10[%dma_wait3A_28, %dma_wait3A_29] : memref<10112x128xf32, #tpu.memory_space<vmem_shared>> -> memref<10112x128xf32, #tpu.memory_space<vmem_shared>>
        tpu.wait_indirect_dma semaphore(%run_scoped3A : memref<!tpu.dma_semaphore, #tpu.memory_space<semaphore_mem>>) src(%arg9 : memref<128x128xf32, #tpu.memory_space<vmem>>) dst(%dma_wait3A_30 : memref<10112x128xf32, #tpu.memory_space<vmem_shared>>)
        tpu.yield
      }) : () -> ()
    }
    %scan3A_6 = arith.constant 80 : i32
    %barrier3A_7 = arith.constant 0 : index
    tpu.barrier barrier_id(%barrier3A_7)
    "tpu.region"() ({
      %run_scoped3A = tpu.sem_alloc : memref<!tpu.dma_semaphore, #tpu.memory_space<semaphore_mem>>
      %dma_start3A = arith.constant 0 : i32
      %dma_start3A_8 = tpu.memref_slice %arg6[%arg0, %mul3A_2, %dma_start3A] : memref<2x10112x128xf32, #tpu.memory_space<hbm>> -> memref<1x632x128xf32, #tpu.memory_space<hbm>>
      %dma_start3A_9 = tpu.memref_squeeze %dma_start3A_8 : memref<1x632x128xf32, #tpu.memory_space<hbm>> -> memref<632x128xf32, #tpu.memory_space<hbm>>
      %dma_start3A_10 = arith.constant 0 : i32
      %dma_start3A_11 = tpu.memref_slice %arg10[%mul3A_2, %dma_start3A_10] : memref<10112x128xf32, #tpu.memory_space<vmem_shared>> -> memref<632x128xf32, #tpu.memory_space<vmem_shared>>
      tpu.enqueue_dma source(%dma_start3A_11 : memref<632x128xf32, #tpu.memory_space<vmem_shared>>) target(%dma_start3A_9 : memref<632x128xf32, #tpu.memory_space<hbm>>) target_semaphore(%run_scoped3A : memref<!tpu.dma_semaphore, #tpu.memory_space<semaphore_mem>>)
      %dma_wait3A = arith.constant 0 : i32
      %dma_wait3A_12 = tpu.memref_slice %arg6[%arg0, %mul3A_2, %dma_wait3A] : memref<2x10112x128xf32, #tpu.memory_space<hbm>> -> memref<1x632x128xf32, #tpu.memory_space<hbm>>
      %dma_wait3A_13 = tpu.memref_squeeze %dma_wait3A_12 : memref<1x632x128xf32, #tpu.memory_space<hbm>> -> memref<632x128xf32, #tpu.memory_space<hbm>>
      %dma_wait3A_14 = arith.constant 0 : i32
      %dma_wait3A_15 = tpu.memref_slice %arg10[%mul3A_2, %dma_wait3A_14] : memref<10112x128xf32, #tpu.memory_space<vmem_shared>> -> memref<632x128xf32, #tpu.memory_space<vmem_shared>>
      tpu.wait_dma2 semaphore(%run_scoped3A : memref<!tpu.dma_semaphore, #tpu.memory_space<semaphore_mem>>) src(%dma_wait3A_15 : memref<632x128xf32, #tpu.memory_space<vmem_shared>>) dst(%dma_wait3A_13 : memref<632x128xf32, #tpu.memory_space<hbm>>)
      tpu.yield
    }) : () -> ()
    return
  }
}

#map = affine_map<(d0, d1) -> (0, 0)>
#map1 = affine_map<(d0, d1) -> (0, 0, 0)>
module attributes {stable_mosaic.version = 14 : i64} {
  func.func @_sc_spmm(%arg0: i32, %arg1: i32, %arg2: memref<10112x128xf32, #tpu.memory_space<hbm>>, %arg3: memref<32x80x128xi32, #tpu.memory_space<hbm>>, %arg4: memref<32x80x128xi32, #tpu.memory_space<hbm>>, %arg5: memref<632x128xf32, #tpu.memory_space<hbm>>, %arg6: memref<2x10112x128xf32, #tpu.memory_space<hbm>>, %arg7: memref<80x128xi32, #tpu.memory_space<vmem>>, %arg8: memref<80x128xi32, #tpu.memory_space<vmem>>, %arg9: memref<128x128xf32, #tpu.memory_space<vmem>>, %arg10: memref<10112x128xf32, #tpu.memory_space<vmem_shared>>, %arg11: memref<!tpu.dma_semaphore, #tpu.memory_space<semaphore_mem>>) attributes {dimension_semantics = [#tpu.dimension_semantics<core_parallel>, #tpu.dimension_semantics<subcore_parallel>], iteration_bounds = array<i64: 2, 16>, scalar_prefetch = 0 : i64, scratch_operands = 5 : i64, tpu.core_type = #tpu.core_type<sc_vector_subcore>, window_params = [{transform_indices = #map}, {transform_indices = #map1}, {transform_indices = #map1}, {transform_indices = #map}, {transform_indices = #map1}]} {
    %mul3A = arith.constant 16 : i32
    %mul3A_0 = arith.muli %arg0, %mul3A : i32
    %add3A = arith.addi %mul3A_0, %arg1 : i32
    "tpu.region"() ({
      %run_scoped3A = tpu.sem_alloc : memref<!tpu.dma_semaphore, #tpu.memory_space<semaphore_mem>>
      %dma_start3A = arith.constant 0 : i32
      %dma_start3A_8 = arith.constant 0 : i32
      %dma_start3A_9 = tpu.memref_slice %arg3[%add3A, %dma_start3A, %dma_start3A_8] : memref<32x80x128xi32, #tpu.memory_space<hbm>> -> memref<1x80x128xi32, #tpu.memory_space<hbm>>
      %dma_start3A_10 = tpu.memref_squeeze %dma_start3A_9 : memref<1x80x128xi32, #tpu.memory_space<hbm>> -> memref<80x128xi32, #tpu.memory_space<hbm>>
      %dma_start3A_11 = arith.constant 0 : i32
      %dma_start3A_12 = arith.constant 0 : i32
      %dma_start3A_13 = tpu.memref_slice %arg3[%add3A, %dma_start3A_11, %dma_start3A_12] : memref<32x80x128xi32, #tpu.memory_space<hbm>> -> memref<1x80x128xi32, #tpu.memory_space<hbm>>
      %dma_start3A_14 = tpu.memref_squeeze %dma_start3A_13 : memref<1x80x128xi32, #tpu.memory_space<hbm>> -> memref<80x128xi32, #tpu.memory_space<hbm>>
      tpu.enqueue_dma source(%dma_start3A_14 : memref<80x128xi32, #tpu.memory_space<hbm>>) target(%arg7 : memref<80x128xi32, #tpu.memory_space<vmem>>) target_semaphore(%run_scoped3A : memref<!tpu.dma_semaphore, #tpu.memory_space<semaphore_mem>>)
      %dma_wait3A = arith.constant 0 : i32
      %dma_wait3A_15 = arith.constant 0 : i32
      %dma_wait3A_16 = tpu.memref_slice %arg3[%add3A, %dma_wait3A, %dma_wait3A_15] : memref<32x80x128xi32, #tpu.memory_space<hbm>> -> memref<1x80x128xi32, #tpu.memory_space<hbm>>
      %dma_wait3A_17 = tpu.memref_squeeze %dma_wait3A_16 : memref<1x80x128xi32, #tpu.memory_space<hbm>> -> memref<80x128xi32, #tpu.memory_space<hbm>>
      %dma_wait3A_18 = arith.constant 0 : i32
      %dma_wait3A_19 = arith.constant 0 : i32
      %dma_wait3A_20 = tpu.memref_slice %arg3[%add3A, %dma_wait3A_18, %dma_wait3A_19] : memref<32x80x128xi32, #tpu.memory_space<hbm>> -> memref<1x80x128xi32, #tpu.memory_space<hbm>>
      %dma_wait3A_21 = tpu.memref_squeeze %dma_wait3A_20 : memref<1x80x128xi32, #tpu.memory_space<hbm>> -> memref<80x128xi32, #tpu.memory_space<hbm>>
      tpu.wait_dma2 semaphore(%run_scoped3A : memref<!tpu.dma_semaphore, #tpu.memory_space<semaphore_mem>>) src(%dma_wait3A_21 : memref<80x128xi32, #tpu.memory_space<hbm>>) dst(%arg7 : memref<80x128xi32, #tpu.memory_space<vmem>>)
      tpu.yield
    }) : () -> ()
    "tpu.region"() ({
      %run_scoped3A = tpu.sem_alloc : memref<!tpu.dma_semaphore, #tpu.memory_space<semaphore_mem>>
      %dma_start3A = arith.constant 0 : i32
      %dma_start3A_8 = arith.constant 0 : i32
      %dma_start3A_9 = tpu.memref_slice %arg4[%add3A, %dma_start3A, %dma_start3A_8] : memref<32x80x128xi32, #tpu.memory_space<hbm>> -> memref<1x80x128xi32, #tpu.memory_space<hbm>>
      %dma_start3A_10 = tpu.memref_squeeze %dma_start3A_9 : memref<1x80x128xi32, #tpu.memory_space<hbm>> -> memref<80x128xi32, #tpu.memory_space<hbm>>
      %dma_start3A_11 = arith.constant 0 : i32
      %dma_start3A_12 = arith.constant 0 : i32
      %dma_start3A_13 = tpu.memref_slice %arg4[%add3A, %dma_start3A_11, %dma_start3A_12] : memref<32x80x128xi32, #tpu.memory_space<hbm>> -> memref<1x80x128xi32, #tpu.memory_space<hbm>>
      %dma_start3A_14 = tpu.memref_squeeze %dma_start3A_13 : memref<1x80x128xi32, #tpu.memory_space<hbm>> -> memref<80x128xi32, #tpu.memory_space<hbm>>
      tpu.enqueue_dma source(%dma_start3A_14 : memref<80x128xi32, #tpu.memory_space<hbm>>) target(%arg8 : memref<80x128xi32, #tpu.memory_space<vmem>>) target_semaphore(%run_scoped3A : memref<!tpu.dma_semaphore, #tpu.memory_space<semaphore_mem>>)
      %dma_wait3A = arith.constant 0 : i32
      %dma_wait3A_15 = arith.constant 0 : i32
      %dma_wait3A_16 = tpu.memref_slice %arg4[%add3A, %dma_wait3A, %dma_wait3A_15] : memref<32x80x128xi32, #tpu.memory_space<hbm>> -> memref<1x80x128xi32, #tpu.memory_space<hbm>>
      %dma_wait3A_17 = tpu.memref_squeeze %dma_wait3A_16 : memref<1x80x128xi32, #tpu.memory_space<hbm>> -> memref<80x128xi32, #tpu.memory_space<hbm>>
      %dma_wait3A_18 = arith.constant 0 : i32
      %dma_wait3A_19 = arith.constant 0 : i32
      %dma_wait3A_20 = tpu.memref_slice %arg4[%add3A, %dma_wait3A_18, %dma_wait3A_19] : memref<32x80x128xi32, #tpu.memory_space<hbm>> -> memref<1x80x128xi32, #tpu.memory_space<hbm>>
      %dma_wait3A_21 = tpu.memref_squeeze %dma_wait3A_20 : memref<1x80x128xi32, #tpu.memory_space<hbm>> -> memref<80x128xi32, #tpu.memory_space<hbm>>
      tpu.wait_dma2 semaphore(%run_scoped3A : memref<!tpu.dma_semaphore, #tpu.memory_space<semaphore_mem>>) src(%dma_wait3A_21 : memref<80x128xi32, #tpu.memory_space<hbm>>) dst(%arg8 : memref<80x128xi32, #tpu.memory_space<vmem>>)
      tpu.yield
    }) : () -> ()
    %mul3A_1 = arith.constant 632 : i32
    %mul3A_2 = arith.muli %arg1, %mul3A_1 : i32
    "tpu.region"() ({
      %run_scoped3A = tpu.sem_alloc : memref<!tpu.dma_semaphore, #tpu.memory_space<semaphore_mem>>
      %dma_start3A = arith.constant 0 : i32
      %dma_start3A_8 = tpu.memref_slice %arg10[%mul3A_2, %dma_start3A] : memref<10112x128xf32, #tpu.memory_space<vmem_shared>> -> memref<632x128xf32, #tpu.memory_space<vmem_shared>>
      tpu.enqueue_dma source(%arg5 : memref<632x128xf32, #tpu.memory_space<hbm>>) target(%dma_start3A_8 : memref<632x128xf32, #tpu.memory_space<vmem_shared>>) target_semaphore(%run_scoped3A : memref<!tpu.dma_semaphore, #tpu.memory_space<semaphore_mem>>)
      %dma_wait3A = arith.constant 0 : i32
      %dma_wait3A_9 = tpu.memref_slice %arg10[%mul3A_2, %dma_wait3A] : memref<10112x128xf32, #tpu.memory_space<vmem_shared>> -> memref<632x128xf32, #tpu.memory_space<vmem_shared>>
      tpu.wait_dma2 semaphore(%run_scoped3A : memref<!tpu.dma_semaphore, #tpu.memory_space<semaphore_mem>>) src(%arg5 : memref<632x128xf32, #tpu.memory_space<hbm>>) dst(%dma_wait3A_9 : memref<632x128xf32, #tpu.memory_space<vmem_shared>>)
      tpu.yield
    }) : () -> ()
    %barrier3A = arith.constant 0 : index
    tpu.barrier barrier_id(%barrier3A)
    %scan3A = arith.constant 0 : i32
    %scan3A_3 = arith.constant 80 : i32
    %scan3A_4 = arith.addi %scan3A, %scan3A_3 : i32
    %scan3A_5 = arith.constant 1 : i32
    scf.for %scan3A_8 = %scan3A to %scan3A_4 step %scan3A_5  : i32 {
      %dma_start3A = arith.constant 0 : i32
      %dma_start3A_9 = tpu.memref_slice %arg7[%scan3A_8, %dma_start3A] : memref<80x128xi32, #tpu.memory_space<vmem>> -> memref<1x128xi32, #tpu.memory_space<vmem>>
      %dma_start3A_10 = tpu.memref_squeeze %dma_start3A_9 : memref<1x128xi32, #tpu.memory_space<vmem>> -> memref<128xi32, #tpu.memory_space<vmem>>
      %dma_start3A_11 = arith.constant 0 : i32
      %dma_start3A_12 = arith.constant 0 : i32
      %dma_start3A_13 = tpu.memref_slice %arg2[%dma_start3A_11, %dma_start3A_12] : memref<10112x128xf32, #tpu.memory_space<hbm>> -> memref<10112x128xf32, #tpu.memory_space<hbm>>
      tpu.enqueue_indirect_dma source(%dma_start3A_13 : memref<10112x128xf32, #tpu.memory_space<hbm>>) target(%arg9 : memref<128x128xf32, #tpu.memory_space<vmem>>) offsets(%dma_start3A_10 : memref<128xi32, #tpu.memory_space<vmem>>) semaphore(%arg11 : memref<!tpu.dma_semaphore, #tpu.memory_space<semaphore_mem>>)
      %dma_wait3A = arith.constant 0 : i32
      %dma_wait3A_14 = tpu.memref_slice %arg7[%scan3A_8, %dma_wait3A] : memref<80x128xi32, #tpu.memory_space<vmem>> -> memref<1x128xi32, #tpu.memory_space<vmem>>
      %dma_wait3A_15 = tpu.memref_squeeze %dma_wait3A_14 : memref<1x128xi32, #tpu.memory_space<vmem>> -> memref<128xi32, #tpu.memory_space<vmem>>
      %dma_wait3A_16 = arith.constant 0 : i32
      %dma_wait3A_17 = arith.constant 0 : i32
      %dma_wait3A_18 = tpu.memref_slice %arg2[%dma_wait3A_16, %dma_wait3A_17] : memref<10112x128xf32, #tpu.memory_space<hbm>> -> memref<10112x128xf32, #tpu.memory_space<hbm>>
      tpu.wait_indirect_dma semaphore(%arg11 : memref<!tpu.dma_semaphore, #tpu.memory_space<semaphore_mem>>) src(%dma_wait3A_18 : memref<10112x128xf32, #tpu.memory_space<hbm>>) dst(%arg9 : memref<128x128xf32, #tpu.memory_space<vmem>>)
      "tpu.region"() ({
        %run_scoped3A = tpu.sem_alloc : memref<!tpu.dma_semaphore, #tpu.memory_space<semaphore_mem>>
        %dma_start3A_19 = arith.constant 0 : i32
        %dma_start3A_20 = tpu.memref_slice %arg8[%scan3A_8, %dma_start3A_19] : memref<80x128xi32, #tpu.memory_space<vmem>> -> memref<1x128xi32, #tpu.memory_space<vmem>>
        %dma_start3A_21 = tpu.memref_squeeze %dma_start3A_20 : memref<1x128xi32, #tpu.memory_space<vmem>> -> memref<128xi32, #tpu.memory_space<vmem>>
        %dma_start3A_22 = arith.constant 0 : i32
        %dma_start3A_23 = arith.constant 0 : i32
        %dma_start3A_24 = tpu.memref_slice %arg10[%dma_start3A_22, %dma_start3A_23] : memref<10112x128xf32, #tpu.memory_space<vmem_shared>> -> memref<10112x128xf32, #tpu.memory_space<vmem_shared>>
        tpu.enqueue_indirect_dma source(%arg9 : memref<128x128xf32, #tpu.memory_space<vmem>>) target(%dma_start3A_24 : memref<10112x128xf32, #tpu.memory_space<vmem_shared>>) offsets(%dma_start3A_21 : memref<128xi32, #tpu.memory_space<vmem>>) semaphore(%run_scoped3A : memref<!tpu.dma_semaphore, #tpu.memory_space<semaphore_mem>>) {add = true}
        %dma_wait3A_25 = arith.constant 0 : i32
        %dma_wait3A_26 = tpu.memref_slice %arg8[%scan3A_8, %dma_wait3A_25] : memref<80x128xi32, #tpu.memory_space<vmem>> -> memref<1x128xi32, #tpu.memory_space<vmem>>
        %dma_wait3A_27 = tpu.memref_squeeze %dma_wait3A_26 : memref<1x128xi32, #tpu.memory_space<vmem>> -> memref<128xi32, #tpu.memory_space<vmem>>
        %dma_wait3A_28 = arith.constant 0 : i32
        %dma_wait3A_29 = arith.constant 0 : i32
        %dma_wait3A_30 = tpu.memref_slice %arg10[%dma_wait3A_28, %dma_wait3A_29] : memref<10112x128xf32, #tpu.memory_space<vmem_shared>> -> memref<10112x128xf32, #tpu.memory_space<vmem_shared>>
        tpu.wait_indirect_dma semaphore(%run_scoped3A : memref<!tpu.dma_semaphore, #tpu.memory_space<semaphore_mem>>) src(%arg9 : memref<128x128xf32, #tpu.memory_space<vmem>>) dst(%dma_wait3A_30 : memref<10112x128xf32, #tpu.memory_space<vmem_shared>>)
        tpu.yield
      }) : () -> ()
    }
    %scan3A_6 = arith.constant 80 : i32
    %barrier3A_7 = arith.constant 0 : index
    tpu.barrier barrier_id(%barrier3A_7)
    "tpu.region"() ({
      %run_scoped3A = tpu.sem_alloc : memref<!tpu.dma_semaphore, #tpu.memory_space<semaphore_mem>>
      %dma_start3A = arith.constant 0 : i32
      %dma_start3A_8 = tpu.memref_slice %arg6[%arg0, %mul3A_2, %dma_start3A] : memref<2x10112x128xf32, #tpu.memory_space<hbm>> -> memref<1x632x128xf32, #tpu.memory_space<hbm>>
      %dma_start3A_9 = tpu.memref_squeeze %dma_start3A_8 : memref<1x632x128xf32, #tpu.memory_space<hbm>> -> memref<632x128xf32, #tpu.memory_space<hbm>>
      %dma_start3A_10 = arith.constant 0 : i32
      %dma_start3A_11 = tpu.memref_slice %arg10[%mul3A_2, %dma_start3A_10] : memref<10112x128xf32, #tpu.memory_space<vmem_shared>> -> memref<632x128xf32, #tpu.memory_space<vmem_shared>>
      tpu.enqueue_dma source(%dma_start3A_11 : memref<632x128xf32, #tpu.memory_space<vmem_shared>>) target(%dma_start3A_9 : memref<632x128xf32, #tpu.memory_space<hbm>>) target_semaphore(%run_scoped3A : memref<!tpu.dma_semaphore, #tpu.memory_space<semaphore_mem>>)
      %dma_wait3A = arith.constant 0 : i32
      %dma_wait3A_12 = tpu.memref_slice %arg6[%arg0, %mul3A_2, %dma_wait3A] : memref<2x10112x128xf32, #tpu.memory_space<hbm>> -> memref<1x632x128xf32, #tpu.memory_space<hbm>>
      %dma_wait3A_13 = tpu.memref_squeeze %dma_wait3A_12 : memref<1x632x128xf32, #tpu.memory_space<hbm>> -> memref<632x128xf32, #tpu.memory_space<hbm>>
      %dma_wait3A_14 = arith.constant 0 : i32
      %dma_wait3A_15 = tpu.memref_slice %arg10[%mul3A_2, %dma_wait3A_14] : memref<10112x128xf32, #tpu.memory_space<vmem_shared>> -> memref<632x128xf32, #tpu.memory_space<vmem_shared>>
      tpu.wait_dma2 semaphore(%run_scoped3A : memref<!tpu.dma_semaphore, #tpu.memory_space<semaphore_mem>>) src(%dma_wait3A_15 : memref<632x128xf32, #tpu.memory_space<vmem_shared>>) dst(%dma_wait3A_13 : memref<632x128xf32, #tpu.memory_space<hbm>>)
      tpu.yield
    }) : () -> ()
    return
  }
}

#map = affine_map<(d0, d1) -> (0, 0)>
#map1 = affine_map<(d0, d1) -> (0, 0, 0)>
module attributes {stable_mosaic.version = 14 : i64} {
  func.func @_sc_spmm(%arg0: i32, %arg1: i32, %arg2: memref<10112x128xf32, #tpu.memory_space<hbm>>, %arg3: memref<32x80x128xi32, #tpu.memory_space<hbm>>, %arg4: memref<32x80x128xi32, #tpu.memory_space<hbm>>, %arg5: memref<632x128xf32, #tpu.memory_space<hbm>>, %arg6: memref<2x10112x128xf32, #tpu.memory_space<hbm>>, %arg7: memref<80x128xi32, #tpu.memory_space<vmem>>, %arg8: memref<80x128xi32, #tpu.memory_space<vmem>>, %arg9: memref<128x128xf32, #tpu.memory_space<vmem>>, %arg10: memref<10112x128xf32, #tpu.memory_space<vmem_shared>>, %arg11: memref<!tpu.dma_semaphore, #tpu.memory_space<semaphore_mem>>) attributes {dimension_semantics = [#tpu.dimension_semantics<core_parallel>, #tpu.dimension_semantics<subcore_parallel>], iteration_bounds = array<i64: 2, 16>, scalar_prefetch = 0 : i64, scratch_operands = 5 : i64, tpu.core_type = #tpu.core_type<sc_vector_subcore>, window_params = [{transform_indices = #map}, {transform_indices = #map1}, {transform_indices = #map1}, {transform_indices = #map}, {transform_indices = #map1}]} {
    %mul3A = arith.constant 16 : i32
    %mul3A_0 = arith.muli %arg0, %mul3A : i32
    %add3A = arith.addi %mul3A_0, %arg1 : i32
    "tpu.region"() ({
      %run_scoped3A = tpu.sem_alloc : memref<!tpu.dma_semaphore, #tpu.memory_space<semaphore_mem>>
      %dma_start3A = arith.constant 0 : i32
      %dma_start3A_8 = arith.constant 0 : i32
      %dma_start3A_9 = tpu.memref_slice %arg3[%add3A, %dma_start3A, %dma_start3A_8] : memref<32x80x128xi32, #tpu.memory_space<hbm>> -> memref<1x80x128xi32, #tpu.memory_space<hbm>>
      %dma_start3A_10 = tpu.memref_squeeze %dma_start3A_9 : memref<1x80x128xi32, #tpu.memory_space<hbm>> -> memref<80x128xi32, #tpu.memory_space<hbm>>
      %dma_start3A_11 = arith.constant 0 : i32
      %dma_start3A_12 = arith.constant 0 : i32
      %dma_start3A_13 = tpu.memref_slice %arg3[%add3A, %dma_start3A_11, %dma_start3A_12] : memref<32x80x128xi32, #tpu.memory_space<hbm>> -> memref<1x80x128xi32, #tpu.memory_space<hbm>>
      %dma_start3A_14 = tpu.memref_squeeze %dma_start3A_13 : memref<1x80x128xi32, #tpu.memory_space<hbm>> -> memref<80x128xi32, #tpu.memory_space<hbm>>
      tpu.enqueue_dma source(%dma_start3A_14 : memref<80x128xi32, #tpu.memory_space<hbm>>) target(%arg7 : memref<80x128xi32, #tpu.memory_space<vmem>>) target_semaphore(%run_scoped3A : memref<!tpu.dma_semaphore, #tpu.memory_space<semaphore_mem>>)
      %dma_wait3A = arith.constant 0 : i32
      %dma_wait3A_15 = arith.constant 0 : i32
      %dma_wait3A_16 = tpu.memref_slice %arg3[%add3A, %dma_wait3A, %dma_wait3A_15] : memref<32x80x128xi32, #tpu.memory_space<hbm>> -> memref<1x80x128xi32, #tpu.memory_space<hbm>>
      %dma_wait3A_17 = tpu.memref_squeeze %dma_wait3A_16 : memref<1x80x128xi32, #tpu.memory_space<hbm>> -> memref<80x128xi32, #tpu.memory_space<hbm>>
      %dma_wait3A_18 = arith.constant 0 : i32
      %dma_wait3A_19 = arith.constant 0 : i32
      %dma_wait3A_20 = tpu.memref_slice %arg3[%add3A, %dma_wait3A_18, %dma_wait3A_19] : memref<32x80x128xi32, #tpu.memory_space<hbm>> -> memref<1x80x128xi32, #tpu.memory_space<hbm>>
      %dma_wait3A_21 = tpu.memref_squeeze %dma_wait3A_20 : memref<1x80x128xi32, #tpu.memory_space<hbm>> -> memref<80x128xi32, #tpu.memory_space<hbm>>
      tpu.wait_dma2 semaphore(%run_scoped3A : memref<!tpu.dma_semaphore, #tpu.memory_space<semaphore_mem>>) src(%dma_wait3A_21 : memref<80x128xi32, #tpu.memory_space<hbm>>) dst(%arg7 : memref<80x128xi32, #tpu.memory_space<vmem>>)
      tpu.yield
    }) : () -> ()
    "tpu.region"() ({
      %run_scoped3A = tpu.sem_alloc : memref<!tpu.dma_semaphore, #tpu.memory_space<semaphore_mem>>
      %dma_start3A = arith.constant 0 : i32
      %dma_start3A_8 = arith.constant 0 : i32
      %dma_start3A_9 = tpu.memref_slice %arg4[%add3A, %dma_start3A, %dma_start3A_8] : memref<32x80x128xi32, #tpu.memory_space<hbm>> -> memref<1x80x128xi32, #tpu.memory_space<hbm>>
      %dma_start3A_10 = tpu.memref_squeeze %dma_start3A_9 : memref<1x80x128xi32, #tpu.memory_space<hbm>> -> memref<80x128xi32, #tpu.memory_space<hbm>>
      %dma_start3A_11 = arith.constant 0 : i32
      %dma_start3A_12 = arith.constant 0 : i32
      %dma_start3A_13 = tpu.memref_slice %arg4[%add3A, %dma_start3A_11, %dma_start3A_12] : memref<32x80x128xi32, #tpu.memory_space<hbm>> -> memref<1x80x128xi32, #tpu.memory_space<hbm>>
      %dma_start3A_14 = tpu.memref_squeeze %dma_start3A_13 : memref<1x80x128xi32, #tpu.memory_space<hbm>> -> memref<80x128xi32, #tpu.memory_space<hbm>>
      tpu.enqueue_dma source(%dma_start3A_14 : memref<80x128xi32, #tpu.memory_space<hbm>>) target(%arg8 : memref<80x128xi32, #tpu.memory_space<vmem>>) target_semaphore(%run_scoped3A : memref<!tpu.dma_semaphore, #tpu.memory_space<semaphore_mem>>)
      %dma_wait3A = arith.constant 0 : i32
      %dma_wait3A_15 = arith.constant 0 : i32
      %dma_wait3A_16 = tpu.memref_slice %arg4[%add3A, %dma_wait3A, %dma_wait3A_15] : memref<32x80x128xi32, #tpu.memory_space<hbm>> -> memref<1x80x128xi32, #tpu.memory_space<hbm>>
      %dma_wait3A_17 = tpu.memref_squeeze %dma_wait3A_16 : memref<1x80x128xi32, #tpu.memory_space<hbm>> -> memref<80x128xi32, #tpu.memory_space<hbm>>
      %dma_wait3A_18 = arith.constant 0 : i32
      %dma_wait3A_19 = arith.constant 0 : i32
      %dma_wait3A_20 = tpu.memref_slice %arg4[%add3A, %dma_wait3A_18, %dma_wait3A_19] : memref<32x80x128xi32, #tpu.memory_space<hbm>> -> memref<1x80x128xi32, #tpu.memory_space<hbm>>
      %dma_wait3A_21 = tpu.memref_squeeze %dma_wait3A_20 : memref<1x80x128xi32, #tpu.memory_space<hbm>> -> memref<80x128xi32, #tpu.memory_space<hbm>>
      tpu.wait_dma2 semaphore(%run_scoped3A : memref<!tpu.dma_semaphore, #tpu.memory_space<semaphore_mem>>) src(%dma_wait3A_21 : memref<80x128xi32, #tpu.memory_space<hbm>>) dst(%arg8 : memref<80x128xi32, #tpu.memory_space<vmem>>)
      tpu.yield
    }) : () -> ()
    %mul3A_1 = arith.constant 632 : i32
    %mul3A_2 = arith.muli %arg1, %mul3A_1 : i32
    "tpu.region"() ({
      %run_scoped3A = tpu.sem_alloc : memref<!tpu.dma_semaphore, #tpu.memory_space<semaphore_mem>>
      %dma_start3A = arith.constant 0 : i32
      %dma_start3A_8 = tpu.memref_slice %arg10[%mul3A_2, %dma_start3A] : memref<10112x128xf32, #tpu.memory_space<vmem_shared>> -> memref<632x128xf32, #tpu.memory_space<vmem_shared>>
      tpu.enqueue_dma source(%arg5 : memref<632x128xf32, #tpu.memory_space<hbm>>) target(%dma_start3A_8 : memref<632x128xf32, #tpu.memory_space<vmem_shared>>) target_semaphore(%run_scoped3A : memref<!tpu.dma_semaphore, #tpu.memory_space<semaphore_mem>>)
      %dma_wait3A = arith.constant 0 : i32
      %dma_wait3A_9 = tpu.memref_slice %arg10[%mul3A_2, %dma_wait3A] : memref<10112x128xf32, #tpu.memory_space<vmem_shared>> -> memref<632x128xf32, #tpu.memory_space<vmem_shared>>
      tpu.wait_dma2 semaphore(%run_scoped3A : memref<!tpu.dma_semaphore, #tpu.memory_space<semaphore_mem>>) src(%arg5 : memref<632x128xf32, #tpu.memory_space<hbm>>) dst(%dma_wait3A_9 : memref<632x128xf32, #tpu.memory_space<vmem_shared>>)
      tpu.yield
    }) : () -> ()
    %barrier3A = arith.constant 0 : index
    tpu.barrier barrier_id(%barrier3A)
    %scan3A = arith.constant 0 : i32
    %scan3A_3 = arith.constant 80 : i32
    %scan3A_4 = arith.addi %scan3A, %scan3A_3 : i32
    %scan3A_5 = arith.constant 1 : i32
    scf.for %scan3A_8 = %scan3A to %scan3A_4 step %scan3A_5  : i32 {
      %dma_start3A = arith.constant 0 : i32
      %dma_start3A_9 = tpu.memref_slice %arg7[%scan3A_8, %dma_start3A] : memref<80x128xi32, #tpu.memory_space<vmem>> -> memref<1x128xi32, #tpu.memory_space<vmem>>
      %dma_start3A_10 = tpu.memref_squeeze %dma_start3A_9 : memref<1x128xi32, #tpu.memory_space<vmem>> -> memref<128xi32, #tpu.memory_space<vmem>>
      %dma_start3A_11 = arith.constant 0 : i32
      %dma_start3A_12 = arith.constant 0 : i32
      %dma_start3A_13 = tpu.memref_slice %arg2[%dma_start3A_11, %dma_start3A_12] : memref<10112x128xf32, #tpu.memory_space<hbm>> -> memref<10112x128xf32, #tpu.memory_space<hbm>>
      tpu.enqueue_indirect_dma source(%dma_start3A_13 : memref<10112x128xf32, #tpu.memory_space<hbm>>) target(%arg9 : memref<128x128xf32, #tpu.memory_space<vmem>>) offsets(%dma_start3A_10 : memref<128xi32, #tpu.memory_space<vmem>>) semaphore(%arg11 : memref<!tpu.dma_semaphore, #tpu.memory_space<semaphore_mem>>)
      %dma_wait3A = arith.constant 0 : i32
      %dma_wait3A_14 = tpu.memref_slice %arg7[%scan3A_8, %dma_wait3A] : memref<80x128xi32, #tpu.memory_space<vmem>> -> memref<1x128xi32, #tpu.memory_space<vmem>>
      %dma_wait3A_15 = tpu.memref_squeeze %dma_wait3A_14 : memref<1x128xi32, #tpu.memory_space<vmem>> -> memref<128xi32, #tpu.memory_space<vmem>>
      %dma_wait3A_16 = arith.constant 0 : i32
      %dma_wait3A_17 = arith.constant 0 : i32
      %dma_wait3A_18 = tpu.memref_slice %arg2[%dma_wait3A_16, %dma_wait3A_17] : memref<10112x128xf32, #tpu.memory_space<hbm>> -> memref<10112x128xf32, #tpu.memory_space<hbm>>
      tpu.wait_indirect_dma semaphore(%arg11 : memref<!tpu.dma_semaphore, #tpu.memory_space<semaphore_mem>>) src(%dma_wait3A_18 : memref<10112x128xf32, #tpu.memory_space<hbm>>) dst(%arg9 : memref<128x128xf32, #tpu.memory_space<vmem>>)
      "tpu.region"() ({
        %run_scoped3A = tpu.sem_alloc : memref<!tpu.dma_semaphore, #tpu.memory_space<semaphore_mem>>
        %dma_start3A_19 = arith.constant 0 : i32
        %dma_start3A_20 = tpu.memref_slice %arg8[%scan3A_8, %dma_start3A_19] : memref<80x128xi32, #tpu.memory_space<vmem>> -> memref<1x128xi32, #tpu.memory_space<vmem>>
        %dma_start3A_21 = tpu.memref_squeeze %dma_start3A_20 : memref<1x128xi32, #tpu.memory_space<vmem>> -> memref<128xi32, #tpu.memory_space<vmem>>
        %dma_start3A_22 = arith.constant 0 : i32
        %dma_start3A_23 = arith.constant 0 : i32
        %dma_start3A_24 = tpu.memref_slice %arg10[%dma_start3A_22, %dma_start3A_23] : memref<10112x128xf32, #tpu.memory_space<vmem_shared>> -> memref<10112x128xf32, #tpu.memory_space<vmem_shared>>
        tpu.enqueue_indirect_dma source(%arg9 : memref<128x128xf32, #tpu.memory_space<vmem>>) target(%dma_start3A_24 : memref<10112x128xf32, #tpu.memory_space<vmem_shared>>) offsets(%dma_start3A_21 : memref<128xi32, #tpu.memory_space<vmem>>) semaphore(%run_scoped3A : memref<!tpu.dma_semaphore, #tpu.memory_space<semaphore_mem>>) {add = true}
        %dma_wait3A_25 = arith.constant 0 : i32
        %dma_wait3A_26 = tpu.memref_slice %arg8[%scan3A_8, %dma_wait3A_25] : memref<80x128xi32, #tpu.memory_space<vmem>> -> memref<1x128xi32, #tpu.memory_space<vmem>>
        %dma_wait3A_27 = tpu.memref_squeeze %dma_wait3A_26 : memref<1x128xi32, #tpu.memory_space<vmem>> -> memref<128xi32, #tpu.memory_space<vmem>>
        %dma_wait3A_28 = arith.constant 0 : i32
        %dma_wait3A_29 = arith.constant 0 : i32
        %dma_wait3A_30 = tpu.memref_slice %arg10[%dma_wait3A_28, %dma_wait3A_29] : memref<10112x128xf32, #tpu.memory_space<vmem_shared>> -> memref<10112x128xf32, #tpu.memory_space<vmem_shared>>
        tpu.wait_indirect_dma semaphore(%run_scoped3A : memref<!tpu.dma_semaphore, #tpu.memory_space<semaphore_mem>>) src(%arg9 : memref<128x128xf32, #tpu.memory_space<vmem>>) dst(%dma_wait3A_30 : memref<10112x128xf32, #tpu.memory_space<vmem_shared>>)
        tpu.yield
      }) : () -> ()
    }
    %scan3A_6 = arith.constant 80 : i32
    %barrier3A_7 = arith.constant 0 : index
    tpu.barrier barrier_id(%barrier3A_7)
    "tpu.region"() ({
      %run_scoped3A = tpu.sem_alloc : memref<!tpu.dma_semaphore, #tpu.memory_space<semaphore_mem>>
      %dma_start3A = arith.constant 0 : i32
      %dma_start3A_8 = tpu.memref_slice %arg6[%arg0, %mul3A_2, %dma_start3A] : memref<2x10112x128xf32, #tpu.memory_space<hbm>> -> memref<1x632x128xf32, #tpu.memory_space<hbm>>
      %dma_start3A_9 = tpu.memref_squeeze %dma_start3A_8 : memref<1x632x128xf32, #tpu.memory_space<hbm>> -> memref<632x128xf32, #tpu.memory_space<hbm>>
      %dma_start3A_10 = arith.constant 0 : i32
      %dma_start3A_11 = tpu.memref_slice %arg10[%mul3A_2, %dma_start3A_10] : memref<10112x128xf32, #tpu.memory_space<vmem_shared>> -> memref<632x128xf32, #tpu.memory_space<vmem_shared>>
      tpu.enqueue_dma source(%dma_start3A_11 : memref<632x128xf32, #tpu.memory_space<vmem_shared>>) target(%dma_start3A_9 : memref<632x128xf32, #tpu.memory_space<hbm>>) target_semaphore(%run_scoped3A : memref<!tpu.dma_semaphore, #tpu.memory_space<semaphore_mem>>)
      %dma_wait3A = arith.constant 0 : i32
      %dma_wait3A_12 = tpu.memref_slice %arg6[%arg0, %mul3A_2, %dma_wait3A] : memref<2x10112x128xf32, #tpu.memory_space<hbm>> -> memref<1x632x128xf32, #tpu.memory_space<hbm>>
      %dma_wait3A_13 = tpu.memref_squeeze %dma_wait3A_12 : memref<1x632x128xf32, #tpu.memory_space<hbm>> -> memref<632x128xf32, #tpu.memory_space<hbm>>
      %dma_wait3A_14 = arith.constant 0 : i32
      %dma_wait3A_15 = tpu.memref_slice %arg10[%mul3A_2, %dma_wait3A_14] : memref<10112x128xf32, #tpu.memory_space<vmem_shared>> -> memref<632x128xf32, #tpu.memory_space<vmem_shared>>
      tpu.wait_dma2 semaphore(%run_scoped3A : memref<!tpu.dma_semaphore, #tpu.memory_space<semaphore_mem>>) src(%dma_wait3A_15 : memref<632x128xf32, #tpu.memory_space<vmem_shared>>) dst(%dma_wait3A_13 : memref<632x128xf32, #tpu.memory_space<hbm>>)
      tpu.yield
    }) : () -> ()
    return
  }
}

module attributes {stable_mosaic.version = 14 : i64} {
  func.func @_tc_first_body(%arg0: i32, %arg1: memref<632x128xf32, #tpu.memory_space<vmem>>, %arg2: memref<632x128xf32, #tpu.memory_space<vmem>>, %arg3: memref<128x128xf32, #tpu.memory_space<vmem>>, %arg4: memref<632x128xf32, #tpu.memory_space<vmem>>) attributes {dimension_semantics = [#tpu.dimension_semantics<arbitrary>], iteration_bounds = array<i64: 16>, scalar_prefetch = 0 : i64, scratch_operands = 0 : i64, tpu.core_type = #tpu.core_type<tc>, window_params = [{transform_indices = @transform_0, window_bounds = array<i64: 632, 128>}, {transform_indices = @transform_1, window_bounds = array<i64: 632, 128>}, {pipeline_mode = #tpu.pipeline_mode<synchronous>, transform_indices = @transform_2, window_bounds = array<i64: 128, 128>}, {transform_indices = @transform_3, window_bounds = array<i64: 632, 128>}]} {
    %get3A = arith.constant 0 : index
    %get3A_0 = arith.constant 0 : index
    %get3A_1 = vector.load %arg1[%get3A, %get3A_0] : memref<632x128xf32, #tpu.memory_space<vmem>>, vector<632x128xf32>
    %get3A_2 = arith.constant 0 : index
    %get3A_3 = arith.constant 0 : index
    %get3A_4 = vector.load %arg2[%get3A_2, %get3A_3] : memref<632x128xf32, #tpu.memory_space<vmem>>, vector<632x128xf32>
    %mul3A = arith.mulf %get3A_1, %get3A_4 : vector<632x128xf32>
    %get3A_5 = arith.constant 0 : index
    %get3A_6 = arith.constant 0 : index
    %get3A_7 = vector.load %arg3[%get3A_5, %get3A_6] : memref<128x128xf32, #tpu.memory_space<vmem>>, vector<128x128xf32>
    %dot_general3A = arith.constant dense<0.000000e+00> : vector<632x128xf32>
    %dot_general3A_8 = tpu.matmul %mul3A, %get3A_7, %dot_general3A {dimension_numbers = #tpu.dot_dimension_numbers<[1], [0], [0], [1], [0, 0, 1, 1], [], []>, transpose_lhs_hint = false} : vector<632x128xf32>, vector<128x128xf32>, vector<632x128xf32> -> vector<632x128xf32>
    %swap3A = arith.constant 0 : index
    %swap3A_9 = arith.constant 0 : index
    %swap3A_10 = vector.load %arg4[%swap3A, %swap3A_9] : memref<632x128xf32, #tpu.memory_space<vmem>>, vector<632x128xf32>
    tpu.vector_store %arg4[%swap3A, %swap3A_9], %dot_general3A_8 {strides = array<i32>} : memref<632x128xf32, #tpu.memory_space<vmem>>, vector<632x128xf32>,
    return
  }
  func.func @transform_0(%arg0: i32) -> (i32, i32) {
    %c0_i32 = arith.constant 0 : i32
    %c0_i32_0 = arith.constant 0 : i32
    return %arg0, %c0_i32 : i32, i32
  }
  func.func @transform_1(%arg0: i32) -> (i32, i32) {
    %c0_i32 = arith.constant 0 : i32
    %c0_i32_0 = arith.constant 0 : i32
    return %arg0, %c0_i32 : i32, i32
  }
  func.func @transform_2(%arg0: i32) -> (i32, i32) {
    %c0_i32 = arith.constant 0 : i32
    %c0_i32_0 = arith.constant 0 : i32
    %c0_i32_1 = arith.constant 0 : i32
    return %c0_i32, %c0_i32_0 : i32, i32
  }
  func.func @transform_3(%arg0: i32) -> (i32, i32) {
    %c0_i32 = arith.constant 0 : i32
    %c0_i32_0 = arith.constant 0 : i32
    return %arg0, %c0_i32 : i32, i32
  }
}

module attributes {stable_mosaic.version = 14 : i64} {
  func.func @_tc_mid_body(%arg0: i32, %arg1: memref<2x632x128xf32, #tpu.memory_space<vmem>>, %arg2: memref<632x128xf32, #tpu.memory_space<vmem>>, %arg3: memref<632x128xf32, #tpu.memory_space<vmem>>, %arg4: memref<1x128xf32, #tpu.memory_space<vmem>>, %arg5: memref<128x128xf32, #tpu.memory_space<vmem>>, %arg6: memref<632x128xf32, #tpu.memory_space<vmem>>) attributes {dimension_semantics = [#tpu.dimension_semantics<arbitrary>], iteration_bounds = array<i64: 16>, scalar_prefetch = 0 : i64, scratch_operands = 0 : i64, tpu.core_type = #tpu.core_type<tc>, window_params = [{transform_indices = @transform_0, window_bounds = array<i64: 2, 632, 128>}, {transform_indices = @transform_1, window_bounds = array<i64: 632, 128>}, {transform_indices = @transform_2, window_bounds = array<i64: 632, 128>}, {pipeline_mode = #tpu.pipeline_mode<synchronous>, transform_indices = @transform_3, window_bounds = array<i64: 1, 128>}, {pipeline_mode = #tpu.pipeline_mode<synchronous>, transform_indices = @transform_4, window_bounds = array<i64: 128, 128>}, {transform_indices = @transform_5, window_bounds = array<i64: 632, 128>}]} {
    %get3A = arith.constant 0 : index
    %get3A_0 = arith.constant 0 : index
    %get3A_1 = arith.constant 0 : index
    %get3A_2 = vector.load %arg1[%get3A, %get3A_0, %get3A_1] : memref<2x632x128xf32, #tpu.memory_space<vmem>>, vector<1x632x128xf32>
    %get3A_3 = vector.shape_cast %get3A_2 : vector<1x632x128xf32> to vector<632x128xf32>
    %get3A_4 = arith.constant 1 : index
    %get3A_5 = arith.constant 0 : index
    %get3A_6 = arith.constant 0 : index
    %get3A_7 = vector.load %arg1[%get3A_4, %get3A_5, %get3A_6] : memref<2x632x128xf32, #tpu.memory_space<vmem>>, vector<1x632x128xf32>
    %get3A_8 = vector.shape_cast %get3A_7 : vector<1x632x128xf32> to vector<632x128xf32>
    %add3A = arith.addf %get3A_3, %get3A_8 : vector<632x128xf32>
    %get3A_9 = arith.constant 0 : index
    %get3A_10 = arith.constant 0 : index
    %get3A_11 = vector.load %arg2[%get3A_9, %get3A_10] : memref<632x128xf32, #tpu.memory_space<vmem>>, vector<632x128xf32>
    %mul3A = arith.mulf %add3A, %get3A_11 : vector<632x128xf32>
    %get3A_12 = arith.constant 0 : index
    %get3A_13 = arith.constant 0 : index
    %get3A_14 = vector.load %arg4[%get3A_12, %get3A_13] : memref<1x128xf32, #tpu.memory_space<vmem>>, vector<1x128xf32>
    %add3A_15 = vector.broadcast %get3A_14 : vector<1x128xf32> to vector<632x128xf32>
    %add3A_16 = arith.addf %mul3A, %add3A_15 : vector<632x128xf32>
    %max3A = arith.constant 0.000000e+00 : f32
    %max3A_17 = vector.broadcast %max3A : f32 to vector<632x128xf32>
    %max3A_18 = arith.maximumf %add3A_16, %max3A_17 : vector<632x128xf32>
    %get3A_19 = arith.constant 0 : index
    %get3A_20 = arith.constant 0 : index
    %get3A_21 = vector.load %arg3[%get3A_19, %get3A_20] : memref<632x128xf32, #tpu.memory_space<vmem>>, vector<632x128xf32>
    %mul3A_22 = arith.mulf %max3A_18, %get3A_21 : vector<632x128xf32>
    %get3A_23 = arith.constant 0 : index
    %get3A_24 = arith.constant 0 : index
    %get3A_25 = vector.load %arg5[%get3A_23, %get3A_24] : memref<128x128xf32, #tpu.memory_space<vmem>>, vector<128x128xf32>
    %dot_general3A = arith.constant dense<0.000000e+00> : vector<632x128xf32>
    %dot_general3A_26 = tpu.matmul %mul3A_22, %get3A_25, %dot_general3A {dimension_numbers = #tpu.dot_dimension_numbers<[1], [0], [0], [1], [0, 0, 1, 1], [], []>, transpose_lhs_hint = false} : vector<632x128xf32>, vector<128x128xf32>, vector<632x128xf32> -> vector<632x128xf32>
    %swap3A = arith.constant 0 : index
    %swap3A_27 = arith.constant 0 : index
    %swap3A_28 = vector.load %arg6[%swap3A, %swap3A_27] : memref<632x128xf32, #tpu.memory_space<vmem>>, vector<632x128xf32>
    tpu.vector_store %arg6[%swap3A, %swap3A_27], %dot_general3A_26 {strides = array<i32>} : memref<632x128xf32, #tpu.memory_space<vmem>>, vector<632x128xf32>,
    return
  }
  func.func @transform_0(%arg0: i32) -> (i32, i32, i32) {
    %c0_i32 = arith.constant 0 : i32
    %c0_i32_0 = arith.constant 0 : i32
    %c0_i32_1 = arith.constant 0 : i32
    return %c0_i32, %arg0, %c0_i32_0 : i32, i32, i32
  }
  func.func @transform_1(%arg0: i32) -> (i32, i32) {
    %c0_i32 = arith.constant 0 : i32
    %c0_i32_0 = arith.constant 0 : i32
    return %arg0, %c0_i32 : i32, i32
  }
  func.func @transform_2(%arg0: i32) -> (i32, i32) {
    %c0_i32 = arith.constant 0 : i32
    %c0_i32_0 = arith.constant 0 : i32
    return %arg0, %c0_i32 : i32, i32
  }
  func.func @transform_3(%arg0: i32) -> (i32, i32) {
    %c0_i32 = arith.constant 0 : i32
    %c0_i32_0 = arith.constant 0 : i32
    %c0_i32_1 = arith.constant 0 : i32
    return %c0_i32, %c0_i32_0 : i32, i32
  }
  func.func @transform_4(%arg0: i32) -> (i32, i32) {
    %c0_i32 = arith.constant 0 : i32
    %c0_i32_0 = arith.constant 0 : i32
    %c0_i32_1 = arith.constant 0 : i32
    return %c0_i32, %c0_i32_0 : i32, i32
  }
  func.func @transform_5(%arg0: i32) -> (i32, i32) {
    %c0_i32 = arith.constant 0 : i32
    %c0_i32_0 = arith.constant 0 : i32
    return %arg0, %c0_i32 : i32, i32
  }
}

module attributes {stable_mosaic.version = 14 : i64} {
  func.func @_tc_final_body(%arg0: i32, %arg1: memref<2x632x128xf32, #tpu.memory_space<vmem>>, %arg2: memref<632x128xf32, #tpu.memory_space<vmem>>, %arg3: memref<1x128xf32, #tpu.memory_space<vmem>>, %arg4: memref<632x128xf32, #tpu.memory_space<vmem>>) attributes {dimension_semantics = [#tpu.dimension_semantics<arbitrary>], iteration_bounds = array<i64: 16>, scalar_prefetch = 0 : i64, scratch_operands = 0 : i64, tpu.core_type = #tpu.core_type<tc>, window_params = [{transform_indices = @transform_0, window_bounds = array<i64: 2, 632, 128>}, {transform_indices = @transform_1, window_bounds = array<i64: 632, 128>}, {pipeline_mode = #tpu.pipeline_mode<synchronous>, transform_indices = @transform_2, window_bounds = array<i64: 1, 128>}, {transform_indices = @transform_3, window_bounds = array<i64: 632, 128>}]} {
    %get3A = arith.constant 0 : index
    %get3A_0 = arith.constant 0 : index
    %get3A_1 = arith.constant 0 : index
    %get3A_2 = vector.load %arg1[%get3A, %get3A_0, %get3A_1] : memref<2x632x128xf32, #tpu.memory_space<vmem>>, vector<1x632x128xf32>
    %get3A_3 = vector.shape_cast %get3A_2 : vector<1x632x128xf32> to vector<632x128xf32>
    %get3A_4 = arith.constant 1 : index
    %get3A_5 = arith.constant 0 : index
    %get3A_6 = arith.constant 0 : index
    %get3A_7 = vector.load %arg1[%get3A_4, %get3A_5, %get3A_6] : memref<2x632x128xf32, #tpu.memory_space<vmem>>, vector<1x632x128xf32>
    %get3A_8 = vector.shape_cast %get3A_7 : vector<1x632x128xf32> to vector<632x128xf32>
    %add3A = arith.addf %get3A_3, %get3A_8 : vector<632x128xf32>
    %get3A_9 = arith.constant 0 : index
    %get3A_10 = arith.constant 0 : index
    %get3A_11 = vector.load %arg2[%get3A_9, %get3A_10] : memref<632x128xf32, #tpu.memory_space<vmem>>, vector<632x128xf32>
    %mul3A = arith.mulf %add3A, %get3A_11 : vector<632x128xf32>
    %get3A_12 = arith.constant 0 : index
    %get3A_13 = arith.constant 0 : index
    %get3A_14 = vector.load %arg3[%get3A_12, %get3A_13] : memref<1x128xf32, #tpu.memory_space<vmem>>, vector<1x128xf32>
    %add3A_15 = vector.broadcast %get3A_14 : vector<1x128xf32> to vector<632x128xf32>
    %add3A_16 = arith.addf %mul3A, %add3A_15 : vector<632x128xf32>
    %swap3A = arith.constant 0 : index
    %swap3A_17 = arith.constant 0 : index
    %swap3A_18 = vector.load %arg4[%swap3A, %swap3A_17] : memref<632x128xf32, #tpu.memory_space<vmem>>, vector<632x128xf32>
    tpu.vector_store %arg4[%swap3A, %swap3A_17], %add3A_16 {strides = array<i32>} : memref<632x128xf32, #tpu.memory_space<vmem>>, vector<632x128xf32>,
    return
  }
  func.func @transform_0(%arg0: i32) -> (i32, i32, i32) {
    %c0_i32 = arith.constant 0 : i32
    %c0_i32_0 = arith.constant 0 : i32
    %c0_i32_1 = arith.constant 0 : i32
    return %c0_i32, %arg0, %c0_i32_0 : i32, i32, i32
  }
  func.func @transform_1(%arg0: i32) -> (i32, i32) {
    %c0_i32 = arith.constant 0 : i32
    %c0_i32_0 = arith.constant 0 : i32
    return %arg0, %c0_i32 : i32, i32
  }
  func.func @transform_2(%arg0: i32) -> (i32, i32) {
    %c0_i32 = arith.constant 0 : i32
    %c0_i32_0 = arith.constant 0 : i32
    %c0_i32_1 = arith.constant 0 : i32
    return %c0_i32, %c0_i32_0 : i32, i32
  }
  func.func @transform_3(%arg0: i32) -> (i32, i32) {
    %c0_i32 = arith.constant 0 : i32
    %c0_i32_0 = arith.constant 0 : i32
    return %arg0, %c0_i32 : i32, i32
  }
}

</mosaic_0001>

<sc_bundles>
// kernel: kernel.10.cloned.1.call-start
scs
__scs_entry_jumppad:
0x0: {  	(pc) =	sbr.rel $0x88, $3  }
0x1: {  	(tag) =	ssettag $0x0;
	lr =	simm.s32 $0x1  }
0x2: {  	[smem:$0x3F99] =	sst lr;
	_ =	strace $0xD0000000  }
0x3: {  	_ = 	snop  }
0x4: {  	_ = 	snop  }
0x5: {  	_ = 	snop  }
0x6: {  	_ = 	snop  }
0x7: {  	_ = 	snop  }
__scs_overlays_trampoline_lowered:
0x8: {  	[smem:$0x3FA8] =	sst s0  }
0x9: {  	[smem:$0x3FA9] =	sst s1  }
0xa: {  	[smem:$0x3FAA] =	sst s2  }
0xb: {  	[smem:$0x3FAB] =	sst s3  }
0xc: {  	[smem:$0x3FAC] =	sst s4  }
0xd: {  	[smem:$0x3FAD] =	sst s5  }
0xe: {  	[smem:$0x3FAE] =	sst s6  }
0xf: {  	[smem:$0x3FAF] =	sst s7  }
0x10: {  	[smem:$0x3FB0] =	sst s8  }
0x11: {  	[smem:$0x3FB1] =	sst s9;
	s0 =	simm.s32 @!p0 $0x0  }
0x12: {  	s1 =	sld [smem:$0x3F97];
	s0 =	simm.s32 @p0 $0x1  }
0x13: {  	[smem:$0x3FB2] =	sst s0;
	s0 =	simm.s32 @!p1 $0x0  }
0x14: {  	s2 =	sld [smem:$0x3F96];
	s0 =	simm.s32 @p1 $0x1  }
0x15: {  	[smem:$0x3FB3] =	sst s0;
	s0 =	simm.s32 @!p2 $0x0  }
0x16: {  	s3 =	sld [smem:$0x3FDB];
	s0 =	simm.s32 @p2 $0x1  }
0x17: {  	s4 =	simm.s32 $0x1BF5;
	[smem:$0x3FB5] =	sst s0  }
0x18: {  	s0 =	sld [smem:$0x3F98];
	_ =	swait.ge [sflag:s4], $0x0  }
0x19: {  	s7 =	sld [smem:$0x3F99]  }
0x1a: {  	s8 =	sadd.s32 $0xFFFFE003, lr  }
0x1b: {  	s9 =	sadd.s32 $0xFFFFFEF7, lr;
	s5 =	simm.s32 $0xFFFFFFFF;
	p2 =	slt.u32 s8, $0xFFFFF086  }
0x1c: {  	p1 =	slt.u32 s9, $0xF7A;
	s5 =	simm.s32 @!p2 $0x0  }
0x1d: {  	s5 =	simm.s32 @p1 $0x1;
	p0 =	seq.s32 s7, s2  }
0x1e: {  	s7 =	smul.u32 @!p0 $0xF7A, s2;
	p2 =	seq.s32 @!p0 s5, $0x0  }
0x1f: {  	s9 =	smul.u32 $0xF7A, s1;
	s8 =	simm.s32 @!p0 $0x1BF5;
	p2 =	por !p2, p0  }
0x20: {  	[sflag:s8] =	ssyncset.s32 @!p0 $0xFFFFF086;
	s6 =	sadd.s32 @!p0 s3, s7;
	s7 =	simm.s32 @!p0 $0x108  }
0x21: {  	s3 =	sadd.s32 s3, s9;
	s6 =	sadd.s32 @!p0 $0x88, s6;
	s7 =	simm.s32 @p2 $0x1082  }
0x22: {  	[simem:s7], [sflag:s8] =	dma.local @!p0 [hbm:s6], $0xF7A  }
0x23: {  	s9 =	sor.u32 $0xD0000000, s2;
	s6 =	simm.s32 $0x108;
	_ =	swait.ge @!p0 [sflag:s8], $0x0  }
0x24: {  	s3 =	sadd.s32 $0x88, s3;
	s6 =	simm.s32 @!p1 $0x1082;
	[sflag:s4] =	ssyncset.s32 $0xFFFFF086  }
0x25: {  	[simem:s6], [sflag:s4] =	dma.local [hbm:s3], $0xF7A  }
0x26: {  	[smem:$0x3F99] =	sst s1;
	(tag) =	ssettag s2;
	_ =	strace s9  }
0x27: {  	s1 =	sld [smem:$0x3FA9]  }
0x28: {  	s2 =	sld [smem:$0x3FAA]  }
0x29: {  	s4 =	sld [smem:$0x3FAC]  }
0x2a: {  	p0 =	seq.s32 s5, $0x0;
	s5 =	sld [smem:$0x3FAD]  }
0x2b: {  	s6 =	sld [smem:$0x3FAE]  }
0x2c: {  	s7 =	sld [smem:$0x3FAF]  }
0x2d: {  	s3 =	simm.s32 $0x108;
	s8 =	sld [smem:$0x3FB0]  }
0x2e: {  	s3 =	simm.s32 @!p0 $0x1082;
	s9 =	sld [smem:$0x3FB1]  }
0x2f: {  	lr =	sadd.s32 s0, s3;
	s0 =	sld [smem:$0x3FA8]  }
0x30: {  	s3 =	sld [smem:$0x3FAB]  }
0x31: {  	[smem:$0x3FB4] =	sst s10  }
0x32: {  	s10 =	sld [smem:$0x3FB2];
	_ =	sdelay $0x3  }
0x33: {  	p0 =	seq.s32 s10, $0x1;
	s10 =	sld [smem:$0x3FB4];
	_ =	sdelay $0x3  }
0x34: {  	[smem:$0x3FB4] =	sst s10  }
0x35: {  	s10 =	sld [smem:$0x3FB3];
	_ =	sdelay $0x3  }
0x36: {  	p1 =	seq.s32 s10, $0x1;
	s10 =	sld [smem:$0x3FB4];
	_ =	sdelay $0x3  }
0x37: {  	[smem:$0x3FB4] =	sst s10  }
0x38: {  	s10 =	sld [smem:$0x3FB5]  }
0x39: {  	_ = 	snop;
	(pc) =	sbr.ind lr, $3  }
0x3a: {  	_ = 	snop  }
0x3b: {  	_ = 	snop  }
0x3c: {  	p2 =	seq.s32 s10, $0x1;
	s10 =	sld [smem:$0x3FB4]  }
0x3d: {  	_ =	shalt  }
0x3e: {  	_ =	shalt  }
0x3f: {  	_ =	shalt  }
0x40: {  	_ =	shalt  }
0x41: {  	_ =	shalt  }
0x42: {  	_ =	shalt  }
0x43: {  	_ =	shalt  }
0x44: {  	_ =	shalt  }
0x45: {  	_ =	shalt  }
0x46: {  	_ =	shalt  }
0x47: {  	_ =	shalt  }
0x48: {  	_ =	shalt  }
0x49: {  	_ =	shalt  }
0x4a: {  	_ =	shalt  }
0x4b: {  	_ =	shalt  }
0x4c: {  	_ =	shalt  }
0x4d: {  	_ =	shalt  }
0x4e: {  	_ =	shalt  }
0x4f: {  	_ =	shalt  }
0x50: {  	_ =	shalt  }
0x51: {  	_ =	shalt  }
0x52: {  	_ =	shalt  }
0x53: {  	_ =	shalt  }
0x54: {  	_ =	shalt  }
0x55: {  	_ =	shalt  }
0x56: {  	_ =	shalt  }
0x57: {  	_ =	shalt  }
0x58: {  	_ =	shalt  }
0x59: {  	_ =	shalt  }
0x5a: {  	_ =	shalt  }
0x5b: {  	_ =	shalt  }
0x5c: {  	_ =	shalt  }
0x5d: {  	_ =	shalt  }
0x5e: {  	_ =	shalt  }
0x5f: {  	_ =	shalt  }
0x60: {  	_ =	shalt  }
0x61: {  	_ =	shalt  }
0x62: {  	_ =	shalt  }
0x63: {  	_ =	shalt  }
0x64: {  	_ =	shalt  }
0x65: {  	_ =	shalt  }
0x66: {  	_ =	shalt  }
0x67: {  	_ =	shalt  }
0x68: {  	_ =	shalt  }
0x69: {  	_ =	shalt  }
0x6a: {  	_ =	shalt  }
0x6b: {  	_ =	shalt  }
0x6c: {  	_ =	shalt  }
0x6d: {  	_ =	shalt  }
0x6e: {  	_ =	shalt  }
0x6f: {  	_ =	shalt  }
0x70: {  	_ =	shalt  }
0x71: {  	_ =	shalt  }
0x72: {  	_ =	shalt  }
0x73: {  	_ =	shalt  }
0x74: {  	_ =	shalt  }
0x75: {  	_ =	shalt  }
0x76: {  	_ =	shalt  }
0x77: {  	_ =	shalt  }
0x78: {  	_ =	shalt  }
0x79: {  	_ =	shalt  }
0x7a: {  	_ =	shalt  }
0x7b: {  	_ =	shalt  }
0x7c: {  	_ =	shalt  }
0x7d: {  	_ =	shalt  }
0x7e: {  	_ =	shalt  }
0x7f: {  	_ =	shalt  }
0x80: {  	_ =	shalt  }
0x81: {  	_ =	shalt  }
0x82: {  	_ =	shalt  }
0x83: {  	_ =	shalt  }
0x84: {  	_ =	shalt  }
0x85: {  	_ =	shalt  }
0x86: {  	_ =	shalt  }
0x87: {  	_ =	shalt  }
.Lfunc_end0:
.L_simem_size_0:
called_computation_lowered:
.L_overlay_start_0:
0x88: {  	s2 =	sld [smem:$0x3FD9]  }
0x89: {  	s3 =	sld [smem:$0x3FFE];
	_ =	sdelay $0x1  }
0x8a: {  	s1 =	srdreg.scid  }
0x8b: {  	s0 =	sand.u32 $0x1, s1  }
0x8c: {  	s16 =	sshll.u32 s0, $0xA;
	s2 =	sadd.s32 s3, s2  }
0x8d: {  	s2 =	sadd.s32 s2, s16  }
0x8e: {  	[smem:$0x3FC0] =	sst s2  }
0x8f: {  	_ = 	snop  }
0x90: {  	(tm) =	ssettm $0x1  }
0x91: {  	s17 =	sld [smem:$0x3FFB];
	_ =	sdelay $0x3  }
0x92: {  	_ =	strace s17  }
0x93: {  	s2 =	sld [smem:$0x3FFC];
	_ =	sdelay $0x3  }
0x94: {  	_ =	strace s2  }
0x95: {  	s2 =	sld [smem:$0x3FFD];
	_ =	sdelay $0x3  }
0x96: {  	_ =	strace s2  }
0x97: {  	_ =	strace $0x8FFFFFFF  }
0x98: {  	s18 =	sld [smem:$0x3FDB];
	_ =	sdelay $0x1  }
0x99: {  	s19 =	simm.s32 $_scs_section_size  }
0x9a: {  	s4 =	simm.s32 $_size__tile_overlayer_lowered;
	s5 =	simm.s32 $_tile_overlayer_lowered  }
0x9b: {  	s22 =	simm.s32 $0x1BFF;
	s21 =	sshll.u32 s5, $0x1;
	s2 =	sadd.s32 s19, s18  }
0x9c: {  	s6 =	simm.s32 $0x0;
	s20 =	sshll.u32 s4, $0x1;
	s4 =	sadd.s32 s21, s2  }
0x9d: {  	[timem:s6], [sflag:s22] =	dma.local [hbm:s4], s20  }
0x9e: {  	_ =	swait.ge [sflag:s22], s20  }
0x9f: {  	s3 =	ssub.s32 $0x0, s20;
	[sflag:s22] =	ssyncset.done $0x0  }
0xa0: {  	[sflag:s22] =	ssyncadd.s32 s3;
	_ =	sdelay $0x1  }
0xa1: {  	s23 =	simm.s32 $0x1B8B  }
0xa2: {  	_ =	swait.ge [sflag:s23], $0x1  }
0xa3: {  	[sflag:s23] =	ssyncset.done $0x0  }
0xa4: {  	s25 =	simm.s32 $0x1B8E;
	s24 =	sld [smem:$0x3FFE];
	[sflag:s23] =	ssyncadd.s32 $0xFFFFFFFF  }
0xa5: {  	s26 =	simm.s32 $execute0_lowered;
	[smem:$0x3FD2] =	sst s25  }
0xa6: {  	s4 =	sshll.u32 s26, $0x1;
	_ =	strace $0x80000046;
	[dreg:$0x1] =	wrdreg $0xFFFFFFFF  }
0xa7: {  	s28 =	simm.s32 $_size_execute0_lowered;
	s2 =	sadd.s32 s2, s4;
	[dreg:$0x0] =	wrdreg $0x0  }
0xa8: {  	s4 =	sshll.u32 s28, $0x1;
	[dreg:$0x2] =	wrdreg s2  }
0xa9: {  	[dreg:$0x3] =	wrdreg s4  }
0xaa: {  	[dreg:$0x4] =	wrdreg $0xC0  }
0xab: {  	_ =	task [dreg:s6], $0x5FFFF  }
0xac: {  	[dreg:$0x1] =	wrdreg $0xFFFFFFFF  }
0xad: {  	[dreg:$0x0] =	wrdreg $0x60  }
0xae: {  	[dreg:$0x2] =	wrdreg s24  }
0xaf: {  	[dreg:$0x3] =	wrdreg $0x90000  }
0xb0: {  	[dreg:$0x4] =	wrdreg $0x9  }
0xb1: {  	_ =	task.clear_ibuf [dreg:s6], $0x5FFFF;
	_ =	strace $0x90000046  }
0xb2: {  	s29 =	simm.s32 $0x9;
	_ =	strace $0x80000048  }
0xb3: {  	_ =	swait.ge [sflag:s29], $0x1  }
0xb4: {  	[sflag:s29] =	ssyncadd.s32 $0xFFFFFFFF  }
0xb5: {  	_ =	strace $0x90000048  }
0xb6: {  	_ =	sfence  }
0xb7: {  	s30 =	sld [smem:$0x0];
	_ =	sdelay $0x2  }
0xb8: {  	s31 =	sshll.u32 s1, $0xD;
	s1 =	sshrl.u32 s1, $0x2  }
0xb9: {  	s3 =	sand.u32 $0x4000, s31;
	s1 =	sadd.s32 s1, s30  }
0xba: {  	s0 =	sor.u32 s3, s0;
	s1 =	sshll.u32 s1, $0x11  }
0xbb: {  	s0 =	sor.u32 s1, s0  }
0xbc: {  	s0 =	sadd.s32 $0x8F2B, s0  }
0xbd: {  	[sflag:s0] =	ssyncadd.remote.s32 $0x1  }
0xbe: {  	_ =	sfence.sel $0xFFFF  }
0xbf: {  	[dreg:$0x0] =	wrdreg $0xFFFFFFFF;
	(pc) =	sbr.abs _section_cstart, $3  }
0xc0: {  	[dreg:$0x1] =	wrdreg $0xFFFFFFFF  }
0xc1: {  	_ =	task.clear_ibuf [dreg:s6], $0x2FFFF;
	_ =	strace $0x9FFFFFFF  }
0xc2: {  	(tm) =	ssettm $0x7FFFFFFF  }
0xc3: {  	_ =	shalt  }
tec
execute0_lowered:
.L_overlay_start_1:
0x0: {  	(tag) =	ssettag $0x1  }
0x1: {  	s6 =	rddreg [dreg:$0x0]  }
0x2: {  	s0 =	srdreg.scid;
	s2 =	rddreg [dreg:$0x1]  }
0x3: {  	s3 =	simm.s32 $0x0;
	s13 =	simm.s32 $0x5000;
	s5 =	sand.u32 $0x1, s0  }
0x4: {  	s16 =	simm.s32 $0x80;
	s0 =	stileid.u32;
	s7 =	smul.u32 $0x280000, s5  }
0x5: {  	s17 =	simm.s32 $0x0;
	[smem:$0x7FF] =	sst s3;
	s8 =	smul.u32 $0x14000, s0  }
0x6: {  	s1 =	sshll.u32 s5, $0x4;
	s30 =	ssub.s32 $0x2, s5;
	s11 =	smul.u32 $0x50000, s0  }
0x7: {  	s5 =	sadd.s32 $0x1F000, s6;
	s14 =	sshll.u32 s0, $0x6;
	s1 =	sor.u32 s0, s1  }
0x8: {  	s10 =	sshrl.u32 s30, $0x1;
	s14 =	sor.u32 $0x1C01, s14;
	s4 =	smul.u32 $0x500, s1  }
0x9: {  	s1 =	rddreg [dreg:$0x2];
	_ =	strace $0x80000047;
	s7 =	sadd.s32 s8, s7  }
0xa: {  	s10 =	ssub.s32 s30, s10;
	s31 =	sshrl.u32 s11, $0x2;
	s11 =	simm.s32 $0x1  }
0xb: {  	s7 =	sshrl.u32 s7, $0x3;
	s15 =	sadd.s32 s31, s2;
	s10 =	smax.u32 s10, $0x1  }
0xc: {  	s9 =	sadd.s32 s4, s6;
	s4 =	sadd.s32 $0x21800, s6;
	s12 =	sadd.s32 s7, s6  }
0xd: {  	s15 =	sshrl.u32 s15, $0x3;
	s6 =	sadd.s32 $0x1000, s9;
	s7 =	sadd.s32 $0xB000, s9  }
0xe: {  	s8 =	sadd.s32 $0x22000, s12;
	s9 =	sadd.s32 $0x4A000, s12;
	s12 =	simm.s32 $0x2800  }
.LBB2_1:
0xf: {  	[tilespmem:s3], [sflag:$0x1] =	stream.linear.gather [hbm4b:s6+s3], $0x2800, $0x38;
	[tilespmem:$0x1D000] =	vst v63  }
0x10: {  	_ =	swait.ge [sflag:s11], $0x2800  }
0x11: {  	[sflag:s11] =	ssyncset.done $0x0  }
0x12: {  	[sflag:s11] =	ssyncadd.s32 $0xFFFFD800  }
0x13: {  	[tilespmem:s12], [sflag:$0x1] =	stream.linear.gather [hbm4b:s7+s3], $0x2800, $0x38;
	[tilespmem:$0x1D000] =	vst v63  }
0x14: {  	_ =	swait.ge [sflag:s11], $0x2800  }
0x15: {  	[sflag:s11] =	ssyncset.done $0x0  }
0x16: {  	[sflag:s11] =	ssyncadd.s32 $0xFFFFD800  }
0x17: {  	[tilespmem:s13], [sflag:$0x1] =	stream.linear.gather [hbm4b:s4+s3], $0x4000, $0x38;
	[tilespmem:$0x1D000] =	vst v63  }
0x18: {  	_ =	swait.ge [sflag:s11], $0x4000  }
0x19: {  	[sflag:s11] =	ssyncset.done $0x0  }
0x1a: {  	[sflag:s11] =	ssyncadd.s32 $0xFFFFC000  }
0x1b: {  	[spmem:s15], [sflag:s14] =	dma.local [hbm:s5], $0x2800  }
0x1c: {  	_ =	swait.ge [sflag:s11], $0x2800  }
0x1d: {  	[sflag:s11] =	ssyncset.done $0x0  }
0x1e: {  	[sflag:s11] =	ssyncadd.s32 $0xFFFFD800  }
0x1f: {  	s18 =	simm.s32 $0x0;
	[bflag:$0x0] =	sbarrier.arrive $0xFFFF  }
0x20: {  	[spmem:s2] =	stream.indirect.scatter.add.f32 [tilespmem:s13], [sflag:$0x1], $0x80, s18, s16, $0xb8;
	[tilespmem:$0x1D000] =	vst v63  }
0x21: {  	_ =	swait.ge [sflag:s11], $0x4000  }
0x22: {  	s18 =	simm.s32 $0x200;
	[sflag:s11] =	ssyncset.done $0x0  }
.LBB2_2:
0x23: {  	s19 =	sshra.s32 s18, $0x2;
	[sflag:s11] =	ssyncadd.s32 $0xFFFFC000;
	p0 =	sne.s32 s18, $0x9E00  }
0x24: {  	[spmem:s2] =	stream.indirect.scatter.add.f32 [tilespmem:s13], [sflag:$0x1], $0x80, s19, s16, $0xb8;
	[tilespmem:$0x1D000] =	vst v63  }
.Ltmp0:
0x25: {  	_ = 	snop;
	(pc) =	sbr.rel @p0 .LBB2_2-.Ltmp0, $4  }
0x26: {  	_ = 	snop  }
0x27: {  	s18 =	sadd.s32 $0x200, s18  }
0x28: {  	_ =	swait.ge [sflag:s11], $0x4000  }
0x29: {  	[sflag:s11] =	ssyncset.done $0x0  }
0x2a: {  	[sflag:s11] =	ssyncadd.s32 $0xFFFFC000  }
0x2b: {  	[bflag:$0x0] =	sbarrier.arrive $0xFFFF  }
0x2c: {  	[hbm:s8], [sflag:s14] =	dma.local [spmem:s15], $0x2800  }
0x2d: {  	_ =	swait.ge [sflag:s11], $0x2800  }
0x2e: {  	[sflag:s11] =	ssyncset.done $0x0  }
0x2f: {  	[sflag:s11] =	ssyncadd.s32 $0xFFFFD800  }
0x30: {  	[spmem:s15], [sflag:s14] =	dma.local [hbm:s5], $0x2800  }
0x31: {  	_ =	swait.ge [sflag:s11], $0x2800  }
0x32: {  	[sflag:s11] =	ssyncset.done $0x0  }
0x33: {  	[sflag:s11] =	ssyncadd.s32 $0xFFFFD800  }
0x34: {  	s18 =	simm.s32 $0x2800;
	[bflag:$0x0] =	sbarrier.arrive $0xFFFF  }
0x35: {  	[spmem:s2] =	stream.indirect.scatter.add.f32 [tilespmem:s13], [sflag:$0x1], $0x80, s18, s16, $0xb8;
	[tilespmem:$0x1D000] =	vst v63  }
0x36: {  	s18 =	simm.s32 $0x200;
	_ =	swait.ge [sflag:s11], $0x4000  }
.LBB2_4:
0x37: {  	s19 =	sshra.s32 s18, $0x2;
	[sflag:s11] =	ssyncset.done $0x0;
	p0 =	sne.s32 s18, $0x9E00  }
.Ltmp1:
0x38: {  	s19 =	sadd.s32 $0x2800, s19;
	[sflag:s11] =	ssyncadd.s32 $0xFFFFC000;
	(pc) =	sbr.rel @p0 .LBB2_4-.Ltmp1, $3  }
0x39: {  	[spmem:s2] =	stream.indirect.scatter.add.f32 [tilespmem:s13], [sflag:$0x1], $0x80, s19, s16, $0xb8;
	[tilespmem:$0x1D000] =	vst v63  }
0x3a: {  	s18 =	sadd.s32 $0x200, s18;
	_ =	sdelay $0x1  }
0x3b: {  	_ =	swait.ge [sflag:s11], $0x4000  }
0x3c: {  	[sflag:s11] =	ssyncset.done $0x0;
	s17 =	sadd.s32 $0x1, s17  }
0x3d: {  	[sflag:s11] =	ssyncadd.s32 $0xFFFFC000;
	p0 =	sne.s32 s17, s10  }
.Ltmp2:
0x3e: {  	[bflag:$0x0] =	sbarrier.arrive $0xFFFF;
	(pc) =	sbr.rel @p0 .LBB2_1-.Ltmp2, $4  }
0x3f: {  	[hbm:s9], [sflag:s14] =	dma.local [spmem:s15], $0x2800  }
0x40: {  	_ =	swait.ge [sflag:s11], $0x2800  }
0x41: {  	[sflag:s11] =	ssyncset.done $0x0  }
0x42: {  	[sflag:s11] =	ssyncadd.s32 $0xFFFFD800  }
0x43: {  	_ =	sfence.sel $0x180000  }
0x44: {  	[bflag:$0x0] =	sbarrier.arrive $0xFFFF  }
0x45: {  	p0 =	sne.s32 s0, $0x0;
	_ =	strace $0x90000047  }
0x46: {  	s0 =	sadd.s32 @!p0 $0x100000, s1;
	[bflag:$0x2] =	sbarrier.arrive $0xFFFF  }
0x47: {  	[sflag:s0] =	ssyncadd.tile.s32 @!p0 $0x1;
	_ =	shalt  }
.Lfunc_end2:
_tile_overlayer_lowered:
.L_overlay_start_2:
0x48: {  	(tag) =	ssettag $0x2  }
0x49: {  	s0 =	rddreg [dreg:$0x0];
	s2 =	stileid.u32  }
0x4a: {  	s1 =	rddreg [dreg:$0x1];
	p0 =	sne.s32 s2, $0x0  }
0x4b: {  	s3 =	rddreg [dreg:$0x2];
	[bflag:$0x3] =	sbarrier.arrive $0xFFFF;
	s2 =	simm.s32 @!p0 $0x1C01  }
0x4c: {  	[timem:s3], [sflag:s2] =	dma.local @!p0 [hbm:s0], s1  }
0x4d: {  	s0 =	simm.s32 @!p0 $0x1  }
0x4e: {  	_ =	swait.ge @!p0 [sflag:s0], s1  }
0x4f: {  	s1 =	ssub.s32 @!p0 $0x0, s1;
	[sflag:s0] =	ssyncset.done @!p0 $0x0  }
0x50: {  	[sflag:s0] =	ssyncadd.s32 @!p0 s1  }
0x51: {  	[bflag:$0x3] =	sbarrier.arrive $0xFFFF  }
0x52: {  	_ =	shalt  }

// kernel: kernel.13.cloned.1.call-start
scs
__scs_entry_jumppad:
0x0: {  	(pc) =	sbr.rel $0x88, $3  }
0x1: {  	(tag) =	ssettag $0x0;
	lr =	simm.s32 $0x1  }
0x2: {  	[smem:$0x3F99] =	sst lr;
	_ =	strace $0xD0000000  }
0x3: {  	_ = 	snop  }
0x4: {  	_ = 	snop  }
0x5: {  	_ = 	snop  }
0x6: {  	_ = 	snop  }
0x7: {  	_ = 	snop  }
__scs_overlays_trampoline_lowered:
0x8: {  	[smem:$0x3FA8] =	sst s0  }
0x9: {  	[smem:$0x3FA9] =	sst s1  }
0xa: {  	[smem:$0x3FAA] =	sst s2  }
0xb: {  	[smem:$0x3FAB] =	sst s3  }
0xc: {  	[smem:$0x3FAC] =	sst s4  }
0xd: {  	[smem:$0x3FAD] =	sst s5  }
0xe: {  	[smem:$0x3FAE] =	sst s6  }
0xf: {  	[smem:$0x3FAF] =	sst s7  }
0x10: {  	[smem:$0x3FB0] =	sst s8  }
0x11: {  	[smem:$0x3FB1] =	sst s9;
	s0 =	simm.s32 @!p0 $0x0  }
0x12: {  	s1 =	sld [smem:$0x3F97];
	s0 =	simm.s32 @p0 $0x1  }
0x13: {  	[smem:$0x3FB2] =	sst s0;
	s0 =	simm.s32 @!p1 $0x0  }
0x14: {  	s2 =	sld [smem:$0x3F96];
	s0 =	simm.s32 @p1 $0x1  }
0x15: {  	[smem:$0x3FB3] =	sst s0;
	s0 =	simm.s32 @!p2 $0x0  }
0x16: {  	s3 =	sld [smem:$0x3FDB];
	s0 =	simm.s32 @p2 $0x1  }
0x17: {  	s4 =	simm.s32 $0x1BF5;
	[smem:$0x3FB5] =	sst s0  }
0x18: {  	s0 =	sld [smem:$0x3F98];
	_ =	swait.ge [sflag:s4], $0x0  }
0x19: {  	s7 =	sld [smem:$0x3F99]  }
0x1a: {  	s8 =	sadd.s32 $0xFFFFE003, lr  }
0x1b: {  	s9 =	sadd.s32 $0xFFFFFEF7, lr;
	s5 =	simm.s32 $0xFFFFFFFF;
	p2 =	slt.u32 s8, $0xFFFFF086  }
0x1c: {  	p1 =	slt.u32 s9, $0xF7A;
	s5 =	simm.s32 @!p2 $0x0  }
0x1d: {  	s5 =	simm.s32 @p1 $0x1;
	p0 =	seq.s32 s7, s2  }
0x1e: {  	s7 =	smul.u32 @!p0 $0xF7A, s2;
	p2 =	seq.s32 @!p0 s5, $0x0  }
0x1f: {  	s9 =	smul.u32 $0xF7A, s1;
	s8 =	simm.s32 @!p0 $0x1BF5;
	p2 =	por !p2, p0  }
0x20: {  	[sflag:s8] =	ssyncset.s32 @!p0 $0xFFFFF086;
	s6 =	sadd.s32 @!p0 s3, s7;
	s7 =	simm.s32 @!p0 $0x108  }
0x21: {  	s3 =	sadd.s32 s3, s9;
	s6 =	sadd.s32 @!p0 $0x88, s6;
	s7 =	simm.s32 @p2 $0x1082  }
0x22: {  	[simem:s7], [sflag:s8] =	dma.local @!p0 [hbm:s6], $0xF7A  }
0x23: {  	s9 =	sor.u32 $0xD0000000, s2;
	s6 =	simm.s32 $0x108;
	_ =	swait.ge @!p0 [sflag:s8], $0x0  }
0x24: {  	s3 =	sadd.s32 $0x88, s3;
	s6 =	simm.s32 @!p1 $0x1082;
	[sflag:s4] =	ssyncset.s32 $0xFFFFF086  }
0x25: {  	[simem:s6], [sflag:s4] =	dma.local [hbm:s3], $0xF7A  }
0x26: {  	[smem:$0x3F99] =	sst s1;
	(tag) =	ssettag s2;
	_ =	strace s9  }
0x27: {  	s1 =	sld [smem:$0x3FA9]  }
0x28: {  	s2 =	sld [smem:$0x3FAA]  }
0x29: {  	s4 =	sld [smem:$0x3FAC]  }
0x2a: {  	p0 =	seq.s32 s5, $0x0;
	s5 =	sld [smem:$0x3FAD]  }
0x2b: {  	s6 =	sld [smem:$0x3FAE]  }
0x2c: {  	s7 =	sld [smem:$0x3FAF]  }
0x2d: {  	s3 =	simm.s32 $0x108;
	s8 =	sld [smem:$0x3FB0]  }
0x2e: {  	s3 =	simm.s32 @!p0 $0x1082;
	s9 =	sld [smem:$0x3FB1]  }
0x2f: {  	lr =	sadd.s32 s0, s3;
	s0 =	sld [smem:$0x3FA8]  }
0x30: {  	s3 =	sld [smem:$0x3FAB]  }
0x31: {  	[smem:$0x3FB4] =	sst s10  }
0x32: {  	s10 =	sld [smem:$0x3FB2];
	_ =	sdelay $0x3  }
0x33: {  	p0 =	seq.s32 s10, $0x1;
	s10 =	sld [smem:$0x3FB4];
	_ =	sdelay $0x3  }
0x34: {  	[smem:$0x3FB4] =	sst s10  }
0x35: {  	s10 =	sld [smem:$0x3FB3];
	_ =	sdelay $0x3  }
0x36: {  	p1 =	seq.s32 s10, $0x1;
	s10 =	sld [smem:$0x3FB4];
	_ =	sdelay $0x3  }
0x37: {  	[smem:$0x3FB4] =	sst s10  }
0x38: {  	s10 =	sld [smem:$0x3FB5]  }
0x39: {  	_ = 	snop;
	(pc) =	sbr.ind lr, $3  }
0x3a: {  	_ = 	snop  }
0x3b: {  	_ = 	snop  }
0x3c: {  	p2 =	seq.s32 s10, $0x1;
	s10 =	sld [smem:$0x3FB4]  }
0x3d: {  	_ =	shalt  }
0x3e: {  	_ =	shalt  }
0x3f: {  	_ =	shalt  }
0x40: {  	_ =	shalt  }
0x41: {  	_ =	shalt  }
0x42: {  	_ =	shalt  }
0x43: {  	_ =	shalt  }
0x44: {  	_ =	shalt  }
0x45: {  	_ =	shalt  }
0x46: {  	_ =	shalt  }
0x47: {  	_ =	shalt  }
0x48: {  	_ =	shalt  }
0x49: {  	_ =	shalt  }
0x4a: {  	_ =	shalt  }
0x4b: {  	_ =	shalt  }
0x4c: {  	_ =	shalt  }
0x4d: {  	_ =	shalt  }
0x4e: {  	_ =	shalt  }
0x4f: {  	_ =	shalt  }
0x50: {  	_ =	shalt  }
0x51: {  	_ =	shalt  }
0x52: {  	_ =	shalt  }
0x53: {  	_ =	shalt  }
0x54: {  	_ =	shalt  }
0x55: {  	_ =	shalt  }
0x56: {  	_ =	shalt  }
0x57: {  	_ =	shalt  }
0x58: {  	_ =	shalt  }
0x59: {  	_ =	shalt  }
0x5a: {  	_ =	shalt  }
0x5b: {  	_ =	shalt  }
0x5c: {  	_ =	shalt  }
0x5d: {  	_ =	shalt  }
0x5e: {  	_ =	shalt  }
0x5f: {  	_ =	shalt  }
0x60: {  	_ =	shalt  }
0x61: {  	_ =	shalt  }
0x62: {  	_ =	shalt  }
0x63: {  	_ =	shalt  }
0x64: {  	_ =	shalt  }
0x65: {  	_ =	shalt  }
0x66: {  	_ =	shalt  }
0x67: {  	_ =	shalt  }
0x68: {  	_ =	shalt  }
0x69: {  	_ =	shalt  }
0x6a: {  	_ =	shalt  }
0x6b: {  	_ =	shalt  }
0x6c: {  	_ =	shalt  }
0x6d: {  	_ =	shalt  }
0x6e: {  	_ =	shalt  }
0x6f: {  	_ =	shalt  }
0x70: {  	_ =	shalt  }
0x71: {  	_ =	shalt  }
0x72: {  	_ =	shalt  }
0x73: {  	_ =	shalt  }
0x74: {  	_ =	shalt  }
0x75: {  	_ =	shalt  }
0x76: {  	_ =	shalt  }
0x77: {  	_ =	shalt  }
0x78: {  	_ =	shalt  }
0x79: {  	_ =	shalt  }
0x7a: {  	_ =	shalt  }
0x7b: {  	_ =	shalt  }
0x7c: {  	_ =	shalt  }
0x7d: {  	_ =	shalt  }
0x7e: {  	_ =	shalt  }
0x7f: {  	_ =	shalt  }
0x80: {  	_ =	shalt  }
0x81: {  	_ =	shalt  }
0x82: {  	_ =	shalt  }
0x83: {  	_ =	shalt  }
0x84: {  	_ =	shalt  }
0x85: {  	_ =	shalt  }
0x86: {  	_ =	shalt  }
0x87: {  	_ =	shalt  }
.Lfunc_end0:
.L_simem_size_0:
called_computation.1_lowered:
.L_overlay_start_0:
0x88: {  	s2 =	sld [smem:$0x3FD9]  }
0x89: {  	s3 =	sld [smem:$0x3FFE];
	_ =	sdelay $0x1  }
0x8a: {  	s1 =	srdreg.scid  }
0x8b: {  	s0 =	sand.u32 $0x1, s1  }
0x8c: {  	s17 =	sshll.u32 s0, $0xA;
	s2 =	sadd.s32 s3, s2  }
0x8d: {  	s2 =	sadd.s32 s2, s17  }
0x8e: {  	[smem:$0x3FC0] =	sst s2  }
0x8f: {  	_ = 	snop  }
0x90: {  	s2 =	sld [smem:$0x3FD0];
	(tm) =	ssettm $0x1  }
0x91: {  	s18 =	sld [smem:$0x3FFB];
	_ =	sdelay $0x3  }
0x92: {  	_ =	strace s18  }
0x93: {  	s3 =	sld [smem:$0x3FFC];
	_ =	sdelay $0x3  }
0x94: {  	_ =	strace s3  }
0x95: {  	s3 =	sld [smem:$0x3FFD];
	_ =	sdelay $0x3  }
0x96: {  	_ =	strace s3  }
0x97: {  	_ =	strace $0x8FFFFFFF  }
0x98: {  	s19 =	sld [smem:$0x3FDB];
	_ =	sdelay $0x1  }
0x99: {  	s4 =	simm.s32 $_scs_section_size  }
0x9a: {  	s5 =	simm.s32 $_size__tile_overlayer_lowered;
	s6 =	simm.s32 $_tile_overlayer_lowered  }
0x9b: {  	s22 =	simm.s32 $0x1BFF;
	s21 =	sshll.u32 s6, $0x1;
	s3 =	sadd.s32 s4, s19  }
0x9c: {  	s7 =	simm.s32 $0x0;
	s20 =	sshll.u32 s5, $0x1;
	s5 =	sadd.s32 s21, s3  }
0x9d: {  	[timem:s7], [sflag:s22] =	dma.local [hbm:s5], s20  }
0x9e: {  	_ =	swait.ge [sflag:s22], s20  }
0x9f: {  	s4 =	ssub.s32 $0x0, s20;
	[sflag:s22] =	ssyncset.done $0x0  }
0xa0: {  	[sflag:s22] =	ssyncadd.s32 s4;
	_ =	sdelay $0x1  }
0xa1: {  	s23 =	simm.s32 $0x1B8B  }
0xa2: {  	_ =	swait.ge [sflag:s23], $0x1  }
0xa3: {  	[sflag:s23] =	ssyncset.done $0x0  }
0xa4: {  	s25 =	simm.s32 $0x1B8E;
	s24 =	sld [smem:$0x3FFE];
	[sflag:s23] =	ssyncadd.s32 $0xFFFFFFFF  }
0xa5: {  	s26 =	simm.s32 $execute0_lowered;
	[smem:$0x3FD2] =	sst s25  }
0xa6: {  	s5 =	sshll.u32 s26, $0x1;
	_ =	strace $0x80000049;
	[dreg:$0x1] =	wrdreg $0xFFFFFFFF  }
0xa7: {  	s28 =	simm.s32 $_size_execute0_lowered;
	s3 =	sadd.s32 s3, s5;
	[dreg:$0x0] =	wrdreg $0x0  }
0xa8: {  	s5 =	sshll.u32 s28, $0x1;
	[dreg:$0x2] =	wrdreg s3  }
0xa9: {  	[dreg:$0x3] =	wrdreg s5  }
0xaa: {  	[dreg:$0x4] =	wrdreg $0xC0  }
0xab: {  	_ =	task [dreg:s7], $0x5FFFF  }
0xac: {  	[dreg:$0x1] =	wrdreg $0xFFFFFFFF  }
0xad: {  	[dreg:$0x0] =	wrdreg $0x60  }
0xae: {  	[dreg:$0x2] =	wrdreg s24  }
0xaf: {  	[dreg:$0x3] =	wrdreg s2  }
0xb0: {  	[dreg:$0x4] =	wrdreg $0x90000  }
0xb1: {  	[dreg:$0x5] =	wrdreg $0x9  }
0xb2: {  	_ =	task.clear_ibuf [dreg:s7], $0x6FFFF;
	_ =	strace $0x90000049  }
0xb3: {  	s29 =	simm.s32 $0x9;
	_ =	strace $0x8000004B  }
0xb4: {  	_ =	swait.ge [sflag:s29], $0x1  }
0xb5: {  	[sflag:s29] =	ssyncadd.s32 $0xFFFFFFFF  }
0xb6: {  	_ =	strace $0x9000004B  }
0xb7: {  	_ =	sfence  }
0xb8: {  	s30 =	sld [smem:$0x0];
	_ =	sdelay $0x2  }
0xb9: {  	s31 =	sshll.u32 s1, $0xD;
	s1 =	sshrl.u32 s1, $0x2  }
0xba: {  	s3 =	sand.u32 $0x4000, s31;
	s1 =	sadd.s32 s1, s30  }
0xbb: {  	s0 =	sor.u32 s3, s0;
	s1 =	sshll.u32 s1, $0x11  }
0xbc: {  	s0 =	sor.u32 s1, s0  }
0xbd: {  	s0 =	sadd.s32 $0x8F2B, s0  }
0xbe: {  	[sflag:s0] =	ssyncadd.remote.s32 $0x1  }
0xbf: {  	_ =	sfence.sel $0xFFFF  }
0xc0: {  	[dreg:$0x0] =	wrdreg $0xFFFFFFFF;
	(pc) =	sbr.abs _section_cstart, $3  }
0xc1: {  	[dreg:$0x1] =	wrdreg $0xFFFFFFFF  }
0xc2: {  	_ =	task.clear_ibuf [dreg:s7], $0x2FFFF;
	_ =	strace $0x9FFFFFFF  }
0xc3: {  	(tm) =	ssettm $0x7FFFFFFF  }
tec
execute0_lowered:
.L_overlay_start_1:
0x0: {  	(tag) =	ssettag $0x1  }
0x1: {  	s6 =	rddreg [dreg:$0x0]  }
0x2: {  	s7 =	rddreg [dreg:$0x1]  }
0x3: {  	s0 =	srdreg.scid;
	s2 =	rddreg [dreg:$0x2]  }
0x4: {  	s3 =	simm.s32 $0x0;
	s14 =	simm.s32 $0x80;
	s15 =	simm.s32 $0x5000  }
0x5: {  	s16 =	simm.s32 $0x1;
	s5 =	sand.u32 $0x1, s0;
	s0 =	stileid.u32  }
0x6: {  	s17 =	simm.s32 $0x0;
	[smem:$0x7FF] =	sst s3;
	s9 =	smul.u32 $0x13C000, s5  }
0x7: {  	s4 =	sadd.s32 $0x1F000, s6;
	s1 =	sshll.u32 s5, $0x4;
	s10 =	smul.u32 $0x13C00, s0  }
0x8: {  	s29 =	ssub.s32 $0x2, s5;
	s13 =	smul.u32 $0x4F000, s0;
	s5 =	sadd.s32 $0x1000, s6  }
0x9: {  	s31 =	sshll.u32 s0, $0x6;
	s1 =	sor.u32 s0, s1;
	s12 =	sshrl.u32 s29, $0x1  }
0xa: {  	s8 =	smul.u32 $0x500, s1;
	s1 =	rddreg [dreg:$0x3];
	_ =	strace $0x8000004A  }
0xb: {  	s9 =	sadd.s32 s10, s9;
	s10 =	ssub.s32 s29, s12;
	s30 =	sshrl.u32 s13, $0x2  }
0xc: {  	s12 =	sor.u32 $0x1C02, s31;
	s9 =	sshrl.u32 s9, $0x3;
	s13 =	sadd.s32 s30, s2  }
0xd: {  	s11 =	sadd.s32 s8, s6;
	s9 =	sadd.s32 s9, s6;
	s6 =	sadd.s32 s7, s8  }
0xe: {  	s13 =	sshrl.u32 s13, $0x3;
	s7 =	sadd.s32 $0x15000, s11;
	s8 =	sadd.s32 $0x46800, s9  }
0xf: {  	s9 =	smax.u32 s10, $0x1;
	s10 =	simm.s32 $0x2;
	s11 =	simm.s32 $0x2800  }
.LBB2_1:
0x10: {  	[tilespmem:s3], [sflag:$0x2] =	stream.linear.gather [hbm4b:s6+s3], $0x2800, $0x38;
	[tilespmem:$0x1CC00] =	vst v63  }
0x11: {  	_ =	swait.ge [sflag:s10], $0x2800  }
0x12: {  	[sflag:s10] =	ssyncset.done $0x0  }
0x13: {  	[sflag:s10] =	ssyncadd.s32 $0xFFFFD800  }
0x14: {  	[tilespmem:s11], [sflag:$0x2] =	stream.linear.gather [hbm4b:s7+s3], $0x2800, $0x38;
	[tilespmem:$0x1CC00] =	vst v63  }
0x15: {  	_ =	swait.ge [sflag:s10], $0x2800  }
0x16: {  	[sflag:s10] =	ssyncset.done $0x0  }
0x17: {  	[sflag:s10] =	ssyncadd.s32 $0xFFFFD800  }
0x18: {  	[spmem:s13], [sflag:s12] =	dma.local [hbm:s5], $0x2780  }
0x19: {  	_ =	swait.ge [sflag:s10], $0x2780  }
0x1a: {  	[sflag:s10] =	ssyncset.done $0x0  }
0x1b: {  	[sflag:s10] =	ssyncadd.s32 $0xFFFFD880  }
0x1c: {  	s18 =	simm.s32 $0x0;
	[bflag:$0x0] =	sbarrier.arrive $0xFFFF  }
0x1d: {  	[tilespmem:s15], [sflag:$0x1] =	stream.indirect.gather [hbm4b:s4+s14], $0x80, s18, s14, $0xb8;
	[tilespmem:$0x1CC00] =	vst v63  }
0x1e: {  	_ =	swait.ge [sflag:s16], $0x4000  }
0x1f: {  	[sflag:s16] =	ssyncset.done $0x0  }
0x20: {  	s31 =	simm.s32 $0x2800;
	[sflag:s16] =	ssyncadd.s32 $0xFFFFC000  }
0x21: {  	[spmem:s2] =	stream.indirect.scatter.add.f32 [tilespmem:s15], [sflag:$0x2], $0x80, s31, s14, $0xb8;
	[tilespmem:$0x1CC00] =	vst v63  }
0x22: {  	_ =	swait.ge [sflag:s10], $0x4000  }
0x23: {  	s19 =	simm.s32 $0x400;
	s18 =	simm.s32 $0x200;
	[sflag:s10] =	ssyncset.done $0x0  }
.LBB2_2:
0x24: {  	s20 =	sshra.s32 s18, $0x2  }
0x25: {  	[sflag:s10] =	ssyncadd.s32 $0xFFFFC000;
	s18 =	smov.u32 s19;
	s21 =	sadd.s32 $0x200, s19  }
0x26: {  	[tilespmem:s15], [sflag:$0x1] =	stream.indirect.gather [hbm4b:s4+s14], $0x80, s20, s14, $0xb8;
	[tilespmem:$0x1CC00] =	vst v63  }
0x27: {  	p0 =	sne.s32 s19, $0x9E00;
	_ =	swait.ge [sflag:s16], $0x4000  }
.Ltmp0:
0x28: {  	[sflag:s16] =	ssyncset.done $0x0;
	(pc) =	sbr.rel @p0 .LBB2_2-.Ltmp0, $4  }
0x29: {  	s19 =	sadd.s32 $0x2800, s20;
	[sflag:s16] =	ssyncadd.s32 $0xFFFFC000  }
0x2a: {  	[spmem:s2] =	stream.indirect.scatter.add.f32 [tilespmem:s15], [sflag:$0x2], $0x80, s19, s14, $0xb8;
	[tilespmem:$0x1CC00] =	vst v63  }
0x2b: {  	_ =	swait.ge [sflag:s10], $0x4000  }
0x2c: {  	s19 =	smov.u32 s21;
	[sflag:s10] =	ssyncset.done $0x0  }
0x2d: {  	s18 =	sshra.s32 s18, $0x2;
	[sflag:s10] =	ssyncadd.s32 $0xFFFFC000  }
0x2e: {  	[tilespmem:s15], [sflag:$0x1] =	stream.indirect.gather [hbm4b:s4+s14], $0x80, s18, s14, $0xb8;
	[tilespmem:$0x1CC00] =	vst v63  }
0x2f: {  	_ =	swait.ge [sflag:s16], $0x4000  }
0x30: {  	[sflag:s16] =	ssyncset.done $0x0  }
0x31: {  	s18 =	sadd.s32 $0x2800, s18;
	[sflag:s16] =	ssyncadd.s32 $0xFFFFC000  }
0x32: {  	[spmem:s2] =	stream.indirect.scatter.add.f32 [tilespmem:s15], [sflag:$0x2], $0x80, s18, s14, $0xb8;
	[tilespmem:$0x1CC00] =	vst v63  }
0x33: {  	_ =	swait.ge [sflag:s10], $0x4000  }
0x34: {  	s17 =	sadd.s32 $0x1, s17;
	[sflag:s10] =	ssyncset.done $0x0  }
0x35: {  	p0 =	sne.s32 s17, s9;
	[sflag:s10] =	ssyncadd.s32 $0xFFFFC000  }
.Ltmp1:
0x36: {  	[bflag:$0x0] =	sbarrier.arrive $0xFFFF;
	(pc) =	sbr.rel @p0 .LBB2_1-.Ltmp1, $4  }
0x37: {  	[hbm:s8], [sflag:s12] =	dma.local [spmem:s13], $0x2780  }
0x38: {  	_ =	swait.ge [sflag:s10], $0x2780  }
0x39: {  	[sflag:s10] =	ssyncset.done $0x0  }
0x3a: {  	[sflag:s10] =	ssyncadd.s32 $0xFFFFD880  }
0x3b: {  	_ =	sfence.sel $0x180000  }
0x3c: {  	[bflag:$0x0] =	sbarrier.arrive $0xFFFF  }
0x3d: {  	p0 =	sne.s32 s0, $0x0;
	_ =	strace $0x9000004A  }
0x3e: {  	s0 =	sadd.s32 @!p0 $0x100000, s1;
	[bflag:$0x2] =	sbarrier.arrive $0xFFFF  }
0x3f: {  	[sflag:s0] =	ssyncadd.tile.s32 @!p0 $0x1;
	_ =	shalt  }
.Lfunc_end2:
_tile_overlayer_lowered:
.L_overlay_start_2:
0x40: {  	(tag) =	ssettag $0x2  }
0x41: {  	s0 =	rddreg [dreg:$0x0];
	s2 =	stileid.u32  }
0x42: {  	s1 =	rddreg [dreg:$0x1];
	p0 =	sne.s32 s2, $0x0  }
0x43: {  	s3 =	rddreg [dreg:$0x2];
	[bflag:$0x3] =	sbarrier.arrive $0xFFFF;
	s2 =	simm.s32 @!p0 $0x1C02  }
0x44: {  	[timem:s3], [sflag:s2] =	dma.local @!p0 [hbm:s0], s1  }
0x45: {  	s0 =	simm.s32 @!p0 $0x2  }
0x46: {  	_ =	swait.ge @!p0 [sflag:s0], s1  }
0x47: {  	s1 =	ssub.s32 @!p0 $0x0, s1;
	[sflag:s0] =	ssyncset.done @!p0 $0x0  }
0x48: {  	[sflag:s0] =	ssyncadd.s32 @!p0 s1  }
0x49: {  	[bflag:$0x3] =	sbarrier.arrive $0xFFFF  }
0x4a: {  	_ =	shalt  }

// kernel: kernel.16.cloned.1.call-start
scs
__scs_entry_jumppad:
0x0: {  	(pc) =	sbr.rel $0x88, $3  }
0x1: {  	(tag) =	ssettag $0x0;
	lr =	simm.s32 $0x1  }
0x2: {  	[smem:$0x3F99] =	sst lr;
	_ =	strace $0xD0000000  }
0x3: {  	_ = 	snop  }
0x4: {  	_ = 	snop  }
0x5: {  	_ = 	snop  }
0x6: {  	_ = 	snop  }
0x7: {  	_ = 	snop  }
__scs_overlays_trampoline_lowered:
0x8: {  	[smem:$0x3FA8] =	sst s0  }
0x9: {  	[smem:$0x3FA9] =	sst s1  }
0xa: {  	[smem:$0x3FAA] =	sst s2  }
0xb: {  	[smem:$0x3FAB] =	sst s3  }
0xc: {  	[smem:$0x3FAC] =	sst s4  }
0xd: {  	[smem:$0x3FAD] =	sst s5  }
0xe: {  	[smem:$0x3FAE] =	sst s6  }
0xf: {  	[smem:$0x3FAF] =	sst s7  }
0x10: {  	[smem:$0x3FB0] =	sst s8  }
0x11: {  	[smem:$0x3FB1] =	sst s9;
	s0 =	simm.s32 @!p0 $0x0  }
0x12: {  	s1 =	sld [smem:$0x3F97];
	s0 =	simm.s32 @p0 $0x1  }
0x13: {  	[smem:$0x3FB2] =	sst s0;
	s0 =	simm.s32 @!p1 $0x0  }
0x14: {  	s2 =	sld [smem:$0x3F96];
	s0 =	simm.s32 @p1 $0x1  }
0x15: {  	[smem:$0x3FB3] =	sst s0;
	s0 =	simm.s32 @!p2 $0x0  }
0x16: {  	s3 =	sld [smem:$0x3FDB];
	s0 =	simm.s32 @p2 $0x1  }
0x17: {  	s4 =	simm.s32 $0x1BF5;
	[smem:$0x3FB5] =	sst s0  }
0x18: {  	s0 =	sld [smem:$0x3F98];
	_ =	swait.ge [sflag:s4], $0x0  }
0x19: {  	s7 =	sld [smem:$0x3F99]  }
0x1a: {  	s8 =	sadd.s32 $0xFFFFE003, lr  }
0x1b: {  	s9 =	sadd.s32 $0xFFFFFEF7, lr;
	s5 =	simm.s32 $0xFFFFFFFF;
	p2 =	slt.u32 s8, $0xFFFFF086  }
0x1c: {  	p1 =	slt.u32 s9, $0xF7A;
	s5 =	simm.s32 @!p2 $0x0  }
0x1d: {  	s5 =	simm.s32 @p1 $0x1;
	p0 =	seq.s32 s7, s2  }
0x1e: {  	s7 =	smul.u32 @!p0 $0xF7A, s2;
	p2 =	seq.s32 @!p0 s5, $0x0  }
0x1f: {  	s9 =	smul.u32 $0xF7A, s1;
	s8 =	simm.s32 @!p0 $0x1BF5;
	p2 =	por !p2, p0  }
0x20: {  	[sflag:s8] =	ssyncset.s32 @!p0 $0xFFFFF086;
	s6 =	sadd.s32 @!p0 s3, s7;
	s7 =	simm.s32 @!p0 $0x108  }
0x21: {  	s3 =	sadd.s32 s3, s9;
	s6 =	sadd.s32 @!p0 $0x88, s6;
	s7 =	simm.s32 @p2 $0x1082  }
0x22: {  	[simem:s7], [sflag:s8] =	dma.local @!p0 [hbm:s6], $0xF7A  }
0x23: {  	s9 =	sor.u32 $0xD0000000, s2;
	s6 =	simm.s32 $0x108;
	_ =	swait.ge @!p0 [sflag:s8], $0x0  }
0x24: {  	s3 =	sadd.s32 $0x88, s3;
	s6 =	simm.s32 @!p1 $0x1082;
	[sflag:s4] =	ssyncset.s32 $0xFFFFF086  }
0x25: {  	[simem:s6], [sflag:s4] =	dma.local [hbm:s3], $0xF7A  }
0x26: {  	[smem:$0x3F99] =	sst s1;
	(tag) =	ssettag s2;
	_ =	strace s9  }
0x27: {  	s1 =	sld [smem:$0x3FA9]  }
0x28: {  	s2 =	sld [smem:$0x3FAA]  }
0x29: {  	s4 =	sld [smem:$0x3FAC]  }
0x2a: {  	p0 =	seq.s32 s5, $0x0;
	s5 =	sld [smem:$0x3FAD]  }
0x2b: {  	s6 =	sld [smem:$0x3FAE]  }
0x2c: {  	s7 =	sld [smem:$0x3FAF]  }
0x2d: {  	s3 =	simm.s32 $0x108;
	s8 =	sld [smem:$0x3FB0]  }
0x2e: {  	s3 =	simm.s32 @!p0 $0x1082;
	s9 =	sld [smem:$0x3FB1]  }
0x2f: {  	lr =	sadd.s32 s0, s3;
	s0 =	sld [smem:$0x3FA8]  }
0x30: {  	s3 =	sld [smem:$0x3FAB]  }
0x31: {  	[smem:$0x3FB4] =	sst s10  }
0x32: {  	s10 =	sld [smem:$0x3FB2];
	_ =	sdelay $0x3  }
0x33: {  	p0 =	seq.s32 s10, $0x1;
	s10 =	sld [smem:$0x3FB4];
	_ =	sdelay $0x3  }
0x34: {  	[smem:$0x3FB4] =	sst s10  }
0x35: {  	s10 =	sld [smem:$0x3FB3];
	_ =	sdelay $0x3  }
0x36: {  	p1 =	seq.s32 s10, $0x1;
	s10 =	sld [smem:$0x3FB4];
	_ =	sdelay $0x3  }
0x37: {  	[smem:$0x3FB4] =	sst s10  }
0x38: {  	s10 =	sld [smem:$0x3FB5]  }
0x39: {  	_ = 	snop;
	(pc) =	sbr.ind lr, $3  }
0x3a: {  	_ = 	snop  }
0x3b: {  	_ = 	snop  }
0x3c: {  	p2 =	seq.s32 s10, $0x1;
	s10 =	sld [smem:$0x3FB4]  }
0x3d: {  	_ =	shalt  }
0x3e: {  	_ =	shalt  }
0x3f: {  	_ =	shalt  }
0x40: {  	_ =	shalt  }
0x41: {  	_ =	shalt  }
0x42: {  	_ =	shalt  }
0x43: {  	_ =	shalt  }
0x44: {  	_ =	shalt  }
0x45: {  	_ =	shalt  }
0x46: {  	_ =	shalt  }
0x47: {  	_ =	shalt  }
0x48: {  	_ =	shalt  }
0x49: {  	_ =	shalt  }
0x4a: {  	_ =	shalt  }
0x4b: {  	_ =	shalt  }
0x4c: {  	_ =	shalt  }
0x4d: {  	_ =	shalt  }
0x4e: {  	_ =	shalt  }
0x4f: {  	_ =	shalt  }
0x50: {  	_ =	shalt  }
0x51: {  	_ =	shalt  }
0x52: {  	_ =	shalt  }
0x53: {  	_ =	shalt  }
0x54: {  	_ =	shalt  }
0x55: {  	_ =	shalt  }
0x56: {  	_ =	shalt  }
0x57: {  	_ =	shalt  }
0x58: {  	_ =	shalt  }
0x59: {  	_ =	shalt  }
0x5a: {  	_ =	shalt  }
0x5b: {  	_ =	shalt  }
0x5c: {  	_ =	shalt  }
0x5d: {  	_ =	shalt  }
0x5e: {  	_ =	shalt  }
0x5f: {  	_ =	shalt  }
0x60: {  	_ =	shalt  }
0x61: {  	_ =	shalt  }
0x62: {  	_ =	shalt  }
0x63: {  	_ =	shalt  }
0x64: {  	_ =	shalt  }
0x65: {  	_ =	shalt  }
0x66: {  	_ =	shalt  }
0x67: {  	_ =	shalt  }
0x68: {  	_ =	shalt  }
0x69: {  	_ =	shalt  }
0x6a: {  	_ =	shalt  }
0x6b: {  	_ =	shalt  }
0x6c: {  	_ =	shalt  }
0x6d: {  	_ =	shalt  }
0x6e: {  	_ =	shalt  }
0x6f: {  	_ =	shalt  }
0x70: {  	_ =	shalt  }
0x71: {  	_ =	shalt  }
0x72: {  	_ =	shalt  }
0x73: {  	_ =	shalt  }
0x74: {  	_ =	shalt  }
0x75: {  	_ =	shalt  }
0x76: {  	_ =	shalt  }
0x77: {  	_ =	shalt  }
0x78: {  	_ =	shalt  }
0x79: {  	_ =	shalt  }
0x7a: {  	_ =	shalt  }
0x7b: {  	_ =	shalt  }
0x7c: {  	_ =	shalt  }
0x7d: {  	_ =	shalt  }
0x7e: {  	_ =	shalt  }
0x7f: {  	_ =	shalt  }
0x80: {  	_ =	shalt  }
0x81: {  	_ =	shalt  }
0x82: {  	_ =	shalt  }
0x83: {  	_ =	shalt  }
0x84: {  	_ =	shalt  }
0x85: {  	_ =	shalt  }
0x86: {  	_ =	shalt  }
0x87: {  	_ =	shalt  }
.Lfunc_end0:
.L_simem_size_0:
called_computation.2_lowered:
.L_overlay_start_0:
0x88: {  	s2 =	sld [smem:$0x3FD9]  }
0x89: {  	s3 =	sld [smem:$0x3FFE];
	_ =	sdelay $0x1  }
0x8a: {  	s1 =	srdreg.scid  }
0x8b: {  	s0 =	sand.u32 $0x1, s1  }
0x8c: {  	s17 =	sshll.u32 s0, $0xA;
	s2 =	sadd.s32 s3, s2  }
0x8d: {  	s2 =	sadd.s32 s2, s17  }
0x8e: {  	[smem:$0x3FC0] =	sst s2  }
0x8f: {  	_ = 	snop  }
0x90: {  	s2 =	sld [smem:$0x3FD0];
	(tm) =	ssettm $0x1  }
0x91: {  	s18 =	sld [smem:$0x3FFB];
	_ =	sdelay $0x3  }
0x92: {  	_ =	strace s18  }
0x93: {  	s3 =	sld [smem:$0x3FFC];
	_ =	sdelay $0x3  }
0x94: {  	_ =	strace s3  }
0x95: {  	s3 =	sld [smem:$0x3FFD];
	_ =	sdelay $0x3  }
0x96: {  	_ =	strace s3  }
0x97: {  	_ =	strace $0x8FFFFFFF  }
0x98: {  	s19 =	sld [smem:$0x3FDB];
	_ =	sdelay $0x1  }
0x99: {  	s4 =	simm.s32 $_scs_section_size  }
0x9a: {  	s5 =	simm.s32 $_size__tile_overlayer_lowered;
	s6 =	simm.s32 $_tile_overlayer_lowered  }
0x9b: {  	s22 =	simm.s32 $0x1BFF;
	s21 =	sshll.u32 s6, $0x1;
	s3 =	sadd.s32 s4, s19  }
0x9c: {  	s7 =	simm.s32 $0x0;
	s20 =	sshll.u32 s5, $0x1;
	s5 =	sadd.s32 s21, s3  }
0x9d: {  	[timem:s7], [sflag:s22] =	dma.local [hbm:s5], s20  }
0x9e: {  	_ =	swait.ge [sflag:s22], s20  }
0x9f: {  	s4 =	ssub.s32 $0x0, s20;
	[sflag:s22] =	ssyncset.done $0x0  }
0xa0: {  	[sflag:s22] =	ssyncadd.s32 s4;
	_ =	sdelay $0x1  }
0xa1: {  	s23 =	simm.s32 $0x1B8B  }
0xa2: {  	_ =	swait.ge [sflag:s23], $0x1  }
0xa3: {  	[sflag:s23] =	ssyncset.done $0x0  }
0xa4: {  	s25 =	simm.s32 $0x1B8E;
	s24 =	sld [smem:$0x3FFE];
	[sflag:s23] =	ssyncadd.s32 $0xFFFFFFFF  }
0xa5: {  	s26 =	simm.s32 $execute0_lowered;
	[smem:$0x3FD2] =	sst s25  }
0xa6: {  	s5 =	sshll.u32 s26, $0x1;
	_ =	strace $0x8000004C;
	[dreg:$0x1] =	wrdreg $0xFFFFFFFF  }
0xa7: {  	s28 =	simm.s32 $_size_execute0_lowered;
	s3 =	sadd.s32 s3, s5;
	[dreg:$0x0] =	wrdreg $0x0  }
0xa8: {  	s5 =	sshll.u32 s28, $0x1;
	[dreg:$0x2] =	wrdreg s3  }
0xa9: {  	[dreg:$0x3] =	wrdreg s5  }
0xaa: {  	[dreg:$0x4] =	wrdreg $0xC0  }
0xab: {  	_ =	task [dreg:s7], $0x5FFFF  }
0xac: {  	[dreg:$0x1] =	wrdreg $0xFFFFFFFF  }
0xad: {  	[dreg:$0x0] =	wrdreg $0x60  }
0xae: {  	[dreg:$0x2] =	wrdreg s24  }
0xaf: {  	[dreg:$0x3] =	wrdreg s2  }
0xb0: {  	[dreg:$0x4] =	wrdreg $0x90000  }
0xb1: {  	[dreg:$0x5] =	wrdreg $0x9  }
0xb2: {  	_ =	task.clear_ibuf [dreg:s7], $0x6FFFF;
	_ =	strace $0x9000004C  }
0xb3: {  	s29 =	simm.s32 $0x9;
	_ =	strace $0x8000004E  }
0xb4: {  	_ =	swait.ge [sflag:s29], $0x1  }
0xb5: {  	[sflag:s29] =	ssyncadd.s32 $0xFFFFFFFF  }
0xb6: {  	_ =	strace $0x9000004E  }
0xb7: {  	_ =	sfence  }
0xb8: {  	s30 =	sld [smem:$0x0];
	_ =	sdelay $0x2  }
0xb9: {  	s31 =	sshll.u32 s1, $0xD;
	s1 =	sshrl.u32 s1, $0x2  }
0xba: {  	s3 =	sand.u32 $0x4000, s31;
	s1 =	sadd.s32 s1, s30  }
0xbb: {  	s0 =	sor.u32 s3, s0;
	s1 =	sshll.u32 s1, $0x11  }
0xbc: {  	s0 =	sor.u32 s1, s0  }
0xbd: {  	s0 =	sadd.s32 $0x8F2B, s0  }
0xbe: {  	[sflag:s0] =	ssyncadd.remote.s32 $0x1  }
0xbf: {  	_ =	sfence.sel $0xFFFF  }
0xc0: {  	[dreg:$0x0] =	wrdreg $0xFFFFFFFF;
	(pc) =	sbr.abs _section_cstart, $3  }
0xc1: {  	[dreg:$0x1] =	wrdreg $0xFFFFFFFF  }
0xc2: {  	_ =	task.clear_ibuf [dreg:s7], $0x2FFFF;
	_ =	strace $0x9FFFFFFF  }
0xc3: {  	(tm) =	ssettm $0x7FFFFFFF  }
tec
execute0_lowered:
.L_overlay_start_1:
0x0: {  	(tag) =	ssettag $0x1  }
0x1: {  	s6 =	rddreg [dreg:$0x0]  }
0x2: {  	s7 =	rddreg [dreg:$0x1]  }
0x3: {  	s0 =	srdreg.scid;
	s2 =	rddreg [dreg:$0x2]  }
0x4: {  	s3 =	simm.s32 $0x0;
	s14 =	simm.s32 $0x80;
	s15 =	simm.s32 $0x5000  }
0x5: {  	s16 =	simm.s32 $0x1;
	s5 =	sand.u32 $0x1, s0;
	s0 =	stileid.u32  }
0x6: {  	s17 =	simm.s32 $0x0;
	[smem:$0x7FF] =	sst s3;
	s9 =	smul.u32 $0x13C000, s5  }
0x7: {  	s4 =	sadd.s32 $0x1F000, s6;
	s1 =	sshll.u32 s5, $0x4;
	s10 =	smul.u32 $0x13C00, s0  }
0x8: {  	s29 =	ssub.s32 $0x2, s5;
	s13 =	smul.u32 $0x4F000, s0;
	s5 =	sadd.s32 $0x1000, s6  }
0x9: {  	s31 =	sshll.u32 s0, $0x6;
	s1 =	sor.u32 s0, s1;
	s12 =	sshrl.u32 s29, $0x1  }
0xa: {  	s8 =	smul.u32 $0x500, s1;
	s1 =	rddreg [dreg:$0x3];
	_ =	strace $0x8000004D  }
0xb: {  	s9 =	sadd.s32 s10, s9;
	s10 =	ssub.s32 s29, s12;
	s30 =	sshrl.u32 s13, $0x2  }
0xc: {  	s12 =	sor.u32 $0x1C02, s31;
	s9 =	sshrl.u32 s9, $0x3;
	s13 =	sadd.s32 s30, s2  }
0xd: {  	s11 =	sadd.s32 s8, s6;
	s9 =	sadd.s32 s9, s6;
	s6 =	sadd.s32 s7, s8  }
0xe: {  	s13 =	sshrl.u32 s13, $0x3;
	s7 =	sadd.s32 $0x15000, s11;
	s8 =	sadd.s32 $0x46800, s9  }
0xf: {  	s9 =	smax.u32 s10, $0x1;
	s10 =	simm.s32 $0x2;
	s11 =	simm.s32 $0x2800  }
.LBB2_1:
0x10: {  	[tilespmem:s3], [sflag:$0x2] =	stream.linear.gather [hbm4b:s6+s3], $0x2800, $0x38;
	[tilespmem:$0x1CC00] =	vst v63  }
0x11: {  	_ =	swait.ge [sflag:s10], $0x2800  }
0x12: {  	[sflag:s10] =	ssyncset.done $0x0  }
0x13: {  	[sflag:s10] =	ssyncadd.s32 $0xFFFFD800  }
0x14: {  	[tilespmem:s11], [sflag:$0x2] =	stream.linear.gather [hbm4b:s7+s3], $0x2800, $0x38;
	[tilespmem:$0x1CC00] =	vst v63  }
0x15: {  	_ =	swait.ge [sflag:s10], $0x2800  }
0x16: {  	[sflag:s10] =	ssyncset.done $0x0  }
0x17: {  	[sflag:s10] =	ssyncadd.s32 $0xFFFFD800  }
0x18: {  	[spmem:s13], [sflag:s12] =	dma.local [hbm:s5], $0x2780  }
0x19: {  	_ =	swait.ge [sflag:s10], $0x2780  }
0x1a: {  	[sflag:s10] =	ssyncset.done $0x0  }
0x1b: {  	[sflag:s10] =	ssyncadd.s32 $0xFFFFD880  }
0x1c: {  	s18 =	simm.s32 $0x0;
	[bflag:$0x0] =	sbarrier.arrive $0xFFFF  }
0x1d: {  	[tilespmem:s15], [sflag:$0x1] =	stream.indirect.gather [hbm4b:s4+s14], $0x80, s18, s14, $0xb8;
	[tilespmem:$0x1CC00] =	vst v63  }
0x1e: {  	_ =	swait.ge [sflag:s16], $0x4000  }
0x1f: {  	[sflag:s16] =	ssyncset.done $0x0  }
0x20: {  	s31 =	simm.s32 $0x2800;
	[sflag:s16] =	ssyncadd.s32 $0xFFFFC000  }
0x21: {  	[spmem:s2] =	stream.indirect.scatter.add.f32 [tilespmem:s15], [sflag:$0x2], $0x80, s31, s14, $0xb8;
	[tilespmem:$0x1CC00] =	vst v63  }
0x22: {  	_ =	swait.ge [sflag:s10], $0x4000  }
0x23: {  	s19 =	simm.s32 $0x400;
	s18 =	simm.s32 $0x200;
	[sflag:s10] =	ssyncset.done $0x0  }
.LBB2_2:
0x24: {  	s20 =	sshra.s32 s18, $0x2  }
0x25: {  	[sflag:s10] =	ssyncadd.s32 $0xFFFFC000;
	s18 =	smov.u32 s19;
	s21 =	sadd.s32 $0x200, s19  }
0x26: {  	[tilespmem:s15], [sflag:$0x1] =	stream.indirect.gather [hbm4b:s4+s14], $0x80, s20, s14, $0xb8;
	[tilespmem:$0x1CC00] =	vst v63  }
0x27: {  	p0 =	sne.s32 s19, $0x9E00;
	_ =	swait.ge [sflag:s16], $0x4000  }
.Ltmp0:
0x28: {  	[sflag:s16] =	ssyncset.done $0x0;
	(pc) =	sbr.rel @p0 .LBB2_2-.Ltmp0, $4  }
0x29: {  	s19 =	sadd.s32 $0x2800, s20;
	[sflag:s16] =	ssyncadd.s32 $0xFFFFC000  }
0x2a: {  	[spmem:s2] =	stream.indirect.scatter.add.f32 [tilespmem:s15], [sflag:$0x2], $0x80, s19, s14, $0xb8;
	[tilespmem:$0x1CC00] =	vst v63  }
0x2b: {  	_ =	swait.ge [sflag:s10], $0x4000  }
0x2c: {  	s19 =	smov.u32 s21;
	[sflag:s10] =	ssyncset.done $0x0  }
0x2d: {  	s18 =	sshra.s32 s18, $0x2;
	[sflag:s10] =	ssyncadd.s32 $0xFFFFC000  }
0x2e: {  	[tilespmem:s15], [sflag:$0x1] =	stream.indirect.gather [hbm4b:s4+s14], $0x80, s18, s14, $0xb8;
	[tilespmem:$0x1CC00] =	vst v63  }
0x2f: {  	_ =	swait.ge [sflag:s16], $0x4000  }
0x30: {  	[sflag:s16] =	ssyncset.done $0x0  }
0x31: {  	s18 =	sadd.s32 $0x2800, s18;
	[sflag:s16] =	ssyncadd.s32 $0xFFFFC000  }
0x32: {  	[spmem:s2] =	stream.indirect.scatter.add.f32 [tilespmem:s15], [sflag:$0x2], $0x80, s18, s14, $0xb8;
	[tilespmem:$0x1CC00] =	vst v63  }
0x33: {  	_ =	swait.ge [sflag:s10], $0x4000  }
0x34: {  	s17 =	sadd.s32 $0x1, s17;
	[sflag:s10] =	ssyncset.done $0x0  }
0x35: {  	p0 =	sne.s32 s17, s9;
	[sflag:s10] =	ssyncadd.s32 $0xFFFFC000  }
.Ltmp1:
0x36: {  	[bflag:$0x0] =	sbarrier.arrive $0xFFFF;
	(pc) =	sbr.rel @p0 .LBB2_1-.Ltmp1, $4  }
0x37: {  	[hbm:s8], [sflag:s12] =	dma.local [spmem:s13], $0x2780  }
0x38: {  	_ =	swait.ge [sflag:s10], $0x2780  }
0x39: {  	[sflag:s10] =	ssyncset.done $0x0  }
0x3a: {  	[sflag:s10] =	ssyncadd.s32 $0xFFFFD880  }
0x3b: {  	_ =	sfence.sel $0x180000  }
0x3c: {  	[bflag:$0x0] =	sbarrier.arrive $0xFFFF  }
0x3d: {  	p0 =	sne.s32 s0, $0x0;
	_ =	strace $0x9000004D  }
0x3e: {  	s0 =	sadd.s32 @!p0 $0x100000, s1;
	[bflag:$0x2] =	sbarrier.arrive $0xFFFF  }
0x3f: {  	[sflag:s0] =	ssyncadd.tile.s32 @!p0 $0x1;
	_ =	shalt  }
.Lfunc_end2:
_tile_overlayer_lowered:
.L_overlay_start_2:
0x40: {  	(tag) =	ssettag $0x2  }
0x41: {  	s0 =	rddreg [dreg:$0x0];
	s2 =	stileid.u32  }
0x42: {  	s1 =	rddreg [dreg:$0x1];
	p0 =	sne.s32 s2, $0x0  }
0x43: {  	s3 =	rddreg [dreg:$0x2];
	[bflag:$0x3] =	sbarrier.arrive $0xFFFF;
	s2 =	simm.s32 @!p0 $0x1C02  }
0x44: {  	[timem:s3], [sflag:s2] =	dma.local @!p0 [hbm:s0], s1  }
0x45: {  	s0 =	simm.s32 @!p0 $0x2  }
0x46: {  	_ =	swait.ge @!p0 [sflag:s0], s1  }
0x47: {  	s1 =	ssub.s32 @!p0 $0x0, s1;
	[sflag:s0] =	ssyncset.done @!p0 $0x0  }
0x48: {  	[sflag:s0] =	ssyncadd.s32 @!p0 s1  }
0x49: {  	[bflag:$0x3] =	sbarrier.arrive $0xFFFF  }
0x4a: {  	_ =	shalt  }

// kernel: kernel.19.cloned.1.call-start
scs
__scs_entry_jumppad:
0x0: {  	(pc) =	sbr.rel $0x88, $3  }
0x1: {  	(tag) =	ssettag $0x0;
	lr =	simm.s32 $0x1  }
0x2: {  	[smem:$0x3F99] =	sst lr;
	_ =	strace $0xD0000000  }
0x3: {  	_ = 	snop  }
0x4: {  	_ = 	snop  }
0x5: {  	_ = 	snop  }
0x6: {  	_ = 	snop  }
0x7: {  	_ = 	snop  }
__scs_overlays_trampoline_lowered:
0x8: {  	[smem:$0x3FA8] =	sst s0  }
0x9: {  	[smem:$0x3FA9] =	sst s1  }
0xa: {  	[smem:$0x3FAA] =	sst s2  }
0xb: {  	[smem:$0x3FAB] =	sst s3  }
0xc: {  	[smem:$0x3FAC] =	sst s4  }
0xd: {  	[smem:$0x3FAD] =	sst s5  }
0xe: {  	[smem:$0x3FAE] =	sst s6  }
0xf: {  	[smem:$0x3FAF] =	sst s7  }
0x10: {  	[smem:$0x3FB0] =	sst s8  }
0x11: {  	[smem:$0x3FB1] =	sst s9;
	s0 =	simm.s32 @!p0 $0x0  }
0x12: {  	s1 =	sld [smem:$0x3F97];
	s0 =	simm.s32 @p0 $0x1  }
0x13: {  	[smem:$0x3FB2] =	sst s0;
	s0 =	simm.s32 @!p1 $0x0  }
0x14: {  	s2 =	sld [smem:$0x3F96];
	s0 =	simm.s32 @p1 $0x1  }
0x15: {  	[smem:$0x3FB3] =	sst s0;
	s0 =	simm.s32 @!p2 $0x0  }
0x16: {  	s3 =	sld [smem:$0x3FDB];
	s0 =	simm.s32 @p2 $0x1  }
0x17: {  	s4 =	simm.s32 $0x1BF5;
	[smem:$0x3FB5] =	sst s0  }
0x18: {  	s0 =	sld [smem:$0x3F98];
	_ =	swait.ge [sflag:s4], $0x0  }
0x19: {  	s7 =	sld [smem:$0x3F99]  }
0x1a: {  	s8 =	sadd.s32 $0xFFFFE003, lr  }
0x1b: {  	s9 =	sadd.s32 $0xFFFFFEF7, lr;
	s5 =	simm.s32 $0xFFFFFFFF;
	p2 =	slt.u32 s8, $0xFFFFF086  }
0x1c: {  	p1 =	slt.u32 s9, $0xF7A;
	s5 =	simm.s32 @!p2 $0x0  }
0x1d: {  	s5 =	simm.s32 @p1 $0x1;
	p0 =	seq.s32 s7, s2  }
0x1e: {  	s7 =	smul.u32 @!p0 $0xF7A, s2;
	p2 =	seq.s32 @!p0 s5, $0x0  }
0x1f: {  	s9 =	smul.u32 $0xF7A, s1;
	s8 =	simm.s32 @!p0 $0x1BF5;
	p2 =	por !p2, p0  }
0x20: {  	[sflag:s8] =	ssyncset.s32 @!p0 $0xFFFFF086;
	s6 =	sadd.s32 @!p0 s3, s7;
	s7 =	simm.s32 @!p0 $0x108  }
0x21: {  	s3 =	sadd.s32 s3, s9;
	s6 =	sadd.s32 @!p0 $0x88, s6;
	s7 =	simm.s32 @p2 $0x1082  }
0x22: {  	[simem:s7], [sflag:s8] =	dma.local @!p0 [hbm:s6], $0xF7A  }
0x23: {  	s9 =	sor.u32 $0xD0000000, s2;
	s6 =	simm.s32 $0x108;
	_ =	swait.ge @!p0 [sflag:s8], $0x0  }
0x24: {  	s3 =	sadd.s32 $0x88, s3;
	s6 =	simm.s32 @!p1 $0x1082;
	[sflag:s4] =	ssyncset.s32 $0xFFFFF086  }
0x25: {  	[simem:s6], [sflag:s4] =	dma.local [hbm:s3], $0xF7A  }
0x26: {  	[smem:$0x3F99] =	sst s1;
	(tag) =	ssettag s2;
	_ =	strace s9  }
0x27: {  	s1 =	sld [smem:$0x3FA9]  }
0x28: {  	s2 =	sld [smem:$0x3FAA]  }
0x29: {  	s4 =	sld [smem:$0x3FAC]  }
0x2a: {  	p0 =	seq.s32 s5, $0x0;
	s5 =	sld [smem:$0x3FAD]  }
0x2b: {  	s6 =	sld [smem:$0x3FAE]  }
0x2c: {  	s7 =	sld [smem:$0x3FAF]  }
0x2d: {  	s3 =	simm.s32 $0x108;
	s8 =	sld [smem:$0x3FB0]  }
0x2e: {  	s3 =	simm.s32 @!p0 $0x1082;
	s9 =	sld [smem:$0x3FB1]  }
0x2f: {  	lr =	sadd.s32 s0, s3;
	s0 =	sld [smem:$0x3FA8]  }
0x30: {  	s3 =	sld [smem:$0x3FAB]  }
0x31: {  	[smem:$0x3FB4] =	sst s10  }
0x32: {  	s10 =	sld [smem:$0x3FB2];
	_ =	sdelay $0x3  }
0x33: {  	p0 =	seq.s32 s10, $0x1;
	s10 =	sld [smem:$0x3FB4];
	_ =	sdelay $0x3  }
0x34: {  	[smem:$0x3FB4] =	sst s10  }
0x35: {  	s10 =	sld [smem:$0x3FB3];
	_ =	sdelay $0x3  }
0x36: {  	p1 =	seq.s32 s10, $0x1;
	s10 =	sld [smem:$0x3FB4];
	_ =	sdelay $0x3  }
0x37: {  	[smem:$0x3FB4] =	sst s10  }
0x38: {  	s10 =	sld [smem:$0x3FB5]  }
0x39: {  	_ = 	snop;
	(pc) =	sbr.ind lr, $3  }
0x3a: {  	_ = 	snop  }
0x3b: {  	_ = 	snop  }
0x3c: {  	p2 =	seq.s32 s10, $0x1;
	s10 =	sld [smem:$0x3FB4]  }
0x3d: {  	_ =	shalt  }
0x3e: {  	_ =	shalt  }
0x3f: {  	_ =	shalt  }
0x40: {  	_ =	shalt  }
0x41: {  	_ =	shalt  }
0x42: {  	_ =	shalt  }
0x43: {  	_ =	shalt  }
0x44: {  	_ =	shalt  }
0x45: {  	_ =	shalt  }
0x46: {  	_ =	shalt  }
0x47: {  	_ =	shalt  }
0x48: {  	_ =	shalt  }
0x49: {  	_ =	shalt  }
0x4a: {  	_ =	shalt  }
0x4b: {  	_ =	shalt  }
0x4c: {  	_ =	shalt  }
0x4d: {  	_ =	shalt  }
0x4e: {  	_ =	shalt  }
0x4f: {  	_ =	shalt  }
0x50: {  	_ =	shalt  }
0x51: {  	_ =	shalt  }
0x52: {  	_ =	shalt  }
0x53: {  	_ =	shalt  }
0x54: {  	_ =	shalt  }
0x55: {  	_ =	shalt  }
0x56: {  	_ =	shalt  }
0x57: {  	_ =	shalt  }
0x58: {  	_ =	shalt  }
0x59: {  	_ =	shalt  }
0x5a: {  	_ =	shalt  }
0x5b: {  	_ =	shalt  }
0x5c: {  	_ =	shalt  }
0x5d: {  	_ =	shalt  }
0x5e: {  	_ =	shalt  }
0x5f: {  	_ =	shalt  }
0x60: {  	_ =	shalt  }
0x61: {  	_ =	shalt  }
0x62: {  	_ =	shalt  }
0x63: {  	_ =	shalt  }
0x64: {  	_ =	shalt  }
0x65: {  	_ =	shalt  }
0x66: {  	_ =	shalt  }
0x67: {  	_ =	shalt  }
0x68: {  	_ =	shalt  }
0x69: {  	_ =	shalt  }
0x6a: {  	_ =	shalt  }
0x6b: {  	_ =	shalt  }
0x6c: {  	_ =	shalt  }
0x6d: {  	_ =	shalt  }
0x6e: {  	_ =	shalt  }
0x6f: {  	_ =	shalt  }
0x70: {  	_ =	shalt  }
0x71: {  	_ =	shalt  }
0x72: {  	_ =	shalt  }
0x73: {  	_ =	shalt  }
0x74: {  	_ =	shalt  }
0x75: {  	_ =	shalt  }
0x76: {  	_ =	shalt  }
0x77: {  	_ =	shalt  }
0x78: {  	_ =	shalt  }
0x79: {  	_ =	shalt  }
0x7a: {  	_ =	shalt  }
0x7b: {  	_ =	shalt  }
0x7c: {  	_ =	shalt  }
0x7d: {  	_ =	shalt  }
0x7e: {  	_ =	shalt  }
0x7f: {  	_ =	shalt  }
0x80: {  	_ =	shalt  }
0x81: {  	_ =	shalt  }
0x82: {  	_ =	shalt  }
0x83: {  	_ =	shalt  }
0x84: {  	_ =	shalt  }
0x85: {  	_ =	shalt  }
0x86: {  	_ =	shalt  }
0x87: {  	_ =	shalt  }
.Lfunc_end0:
.L_simem_size_0:
called_computation.3_lowered:
.L_overlay_start_0:
0x88: {  	s2 =	sld [smem:$0x3FD9]  }
0x89: {  	s3 =	sld [smem:$0x3FFE];
	_ =	sdelay $0x1  }
0x8a: {  	s1 =	srdreg.scid  }
0x8b: {  	s0 =	sand.u32 $0x1, s1  }
0x8c: {  	s17 =	sshll.u32 s0, $0xA;
	s2 =	sadd.s32 s3, s2  }
0x8d: {  	s2 =	sadd.s32 s2, s17  }
0x8e: {  	[smem:$0x3FC0] =	sst s2  }
0x8f: {  	_ = 	snop  }
0x90: {  	s2 =	sld [smem:$0x3FD0];
	(tm) =	ssettm $0x1  }
0x91: {  	s18 =	sld [smem:$0x3FFB];
	_ =	sdelay $0x3  }
0x92: {  	_ =	strace s18  }
0x93: {  	s3 =	sld [smem:$0x3FFC];
	_ =	sdelay $0x3  }
0x94: {  	_ =	strace s3  }
0x95: {  	s3 =	sld [smem:$0x3FFD];
	_ =	sdelay $0x3  }
0x96: {  	_ =	strace s3  }
0x97: {  	_ =	strace $0x8FFFFFFF  }
0x98: {  	s19 =	sld [smem:$0x3FDB];
	_ =	sdelay $0x1  }
0x99: {  	s4 =	simm.s32 $_scs_section_size  }
0x9a: {  	s5 =	simm.s32 $_size__tile_overlayer_lowered;
	s6 =	simm.s32 $_tile_overlayer_lowered  }
0x9b: {  	s22 =	simm.s32 $0x1BFF;
	s21 =	sshll.u32 s6, $0x1;
	s3 =	sadd.s32 s4, s19  }
0x9c: {  	s7 =	simm.s32 $0x0;
	s20 =	sshll.u32 s5, $0x1;
	s5 =	sadd.s32 s21, s3  }
0x9d: {  	[timem:s7], [sflag:s22] =	dma.local [hbm:s5], s20  }
0x9e: {  	_ =	swait.ge [sflag:s22], s20  }
0x9f: {  	s4 =	ssub.s32 $0x0, s20;
	[sflag:s22] =	ssyncset.done $0x0  }
0xa0: {  	[sflag:s22] =	ssyncadd.s32 s4;
	_ =	sdelay $0x1  }
0xa1: {  	s23 =	simm.s32 $0x1B8B  }
0xa2: {  	_ =	swait.ge [sflag:s23], $0x1  }
0xa3: {  	[sflag:s23] =	ssyncset.done $0x0  }
0xa4: {  	s25 =	simm.s32 $0x1B8E;
	s24 =	sld [smem:$0x3FFE];
	[sflag:s23] =	ssyncadd.s32 $0xFFFFFFFF  }
0xa5: {  	s26 =	simm.s32 $execute0_lowered;
	[smem:$0x3FD2] =	sst s25  }
0xa6: {  	s5 =	sshll.u32 s26, $0x1;
	_ =	strace $0x8000004F;
	[dreg:$0x1] =	wrdreg $0xFFFFFFFF  }
0xa7: {  	s28 =	simm.s32 $_size_execute0_lowered;
	s3 =	sadd.s32 s3, s5;
	[dreg:$0x0] =	wrdreg $0x0  }
0xa8: {  	s5 =	sshll.u32 s28, $0x1;
	[dreg:$0x2] =	wrdreg s3  }
0xa9: {  	[dreg:$0x3] =	wrdreg s5  }
0xaa: {  	[dreg:$0x4] =	wrdreg $0xC0  }
0xab: {  	_ =	task [dreg:s7], $0x5FFFF  }
0xac: {  	[dreg:$0x1] =	wrdreg $0xFFFFFFFF  }
0xad: {  	[dreg:$0x0] =	wrdreg $0x60  }
0xae: {  	[dreg:$0x2] =	wrdreg s24  }
0xaf: {  	[dreg:$0x3] =	wrdreg s2  }
0xb0: {  	[dreg:$0x4] =	wrdreg $0x90000  }
0xb1: {  	[dreg:$0x5] =	wrdreg $0x9  }
0xb2: {  	_ =	task.clear_ibuf [dreg:s7], $0x6FFFF;
	_ =	strace $0x9000004F  }
0xb3: {  	s29 =	simm.s32 $0x9;
	_ =	strace $0x80000051  }
0xb4: {  	_ =	swait.ge [sflag:s29], $0x1  }
0xb5: {  	[sflag:s29] =	ssyncadd.s32 $0xFFFFFFFF  }
0xb6: {  	_ =	strace $0x90000051  }
0xb7: {  	_ =	sfence  }
0xb8: {  	s30 =	sld [smem:$0x0];
	_ =	sdelay $0x2  }
0xb9: {  	s31 =	sshll.u32 s1, $0xD;
	s1 =	sshrl.u32 s1, $0x2  }
0xba: {  	s3 =	sand.u32 $0x4000, s31;
	s1 =	sadd.s32 s1, s30  }
0xbb: {  	s0 =	sor.u32 s3, s0;
	s1 =	sshll.u32 s1, $0x11  }
0xbc: {  	s0 =	sor.u32 s1, s0  }
0xbd: {  	s0 =	sadd.s32 $0x8F2B, s0  }
0xbe: {  	[sflag:s0] =	ssyncadd.remote.s32 $0x1  }
0xbf: {  	_ =	sfence.sel $0xFFFF  }
0xc0: {  	[dreg:$0x0] =	wrdreg $0xFFFFFFFF;
	(pc) =	sbr.abs _section_cstart, $3  }
0xc1: {  	[dreg:$0x1] =	wrdreg $0xFFFFFFFF  }
0xc2: {  	_ =	task.clear_ibuf [dreg:s7], $0x2FFFF;
	_ =	strace $0x9FFFFFFF  }
0xc3: {  	(tm) =	ssettm $0x7FFFFFFF  }
tec
execute0_lowered:
.L_overlay_start_1:
0x0: {  	(tag) =	ssettag $0x1  }
0x1: {  	s6 =	rddreg [dreg:$0x0]  }
0x2: {  	s7 =	rddreg [dreg:$0x1]  }
0x3: {  	s0 =	srdreg.scid;
	s2 =	rddreg [dreg:$0x2]  }
0x4: {  	s3 =	simm.s32 $0x0;
	s14 =	simm.s32 $0x80;
	s15 =	simm.s32 $0x5000  }
0x5: {  	s16 =	simm.s32 $0x1;
	s5 =	sand.u32 $0x1, s0;
	s0 =	stileid.u32  }
0x6: {  	s17 =	simm.s32 $0x0;
	[smem:$0x7FF] =	sst s3;
	s9 =	smul.u32 $0x13C000, s5  }
0x7: {  	s4 =	sadd.s32 $0x1F000, s6;
	s1 =	sshll.u32 s5, $0x4;
	s10 =	smul.u32 $0x13C00, s0  }
0x8: {  	s29 =	ssub.s32 $0x2, s5;
	s13 =	smul.u32 $0x4F000, s0;
	s5 =	sadd.s32 $0x1000, s6  }
0x9: {  	s31 =	sshll.u32 s0, $0x6;
	s1 =	sor.u32 s0, s1;
	s12 =	sshrl.u32 s29, $0x1  }
0xa: {  	s8 =	smul.u32 $0x500, s1;
	s1 =	rddreg [dreg:$0x3];
	_ =	strace $0x80000050  }
0xb: {  	s9 =	sadd.s32 s10, s9;
	s10 =	ssub.s32 s29, s12;
	s30 =	sshrl.u32 s13, $0x2  }
0xc: {  	s12 =	sor.u32 $0x1C02, s31;
	s9 =	sshrl.u32 s9, $0x3;
	s13 =	sadd.s32 s30, s2  }
0xd: {  	s11 =	sadd.s32 s8, s6;
	s9 =	sadd.s32 s9, s6;
	s6 =	sadd.s32 s7, s8  }
0xe: {  	s13 =	sshrl.u32 s13, $0x3;
	s7 =	sadd.s32 $0x15000, s11;
	s8 =	sadd.s32 $0x46800, s9  }
0xf: {  	s9 =	smax.u32 s10, $0x1;
	s10 =	simm.s32 $0x2;
	s11 =	simm.s32 $0x2800  }
.LBB2_1:
0x10: {  	[tilespmem:s3], [sflag:$0x2] =	stream.linear.gather [hbm4b:s6+s3], $0x2800, $0x38;
	[tilespmem:$0x1CC00] =	vst v63  }
0x11: {  	_ =	swait.ge [sflag:s10], $0x2800  }
0x12: {  	[sflag:s10] =	ssyncset.done $0x0  }
0x13: {  	[sflag:s10] =	ssyncadd.s32 $0xFFFFD800  }
0x14: {  	[tilespmem:s11], [sflag:$0x2] =	stream.linear.gather [hbm4b:s7+s3], $0x2800, $0x38;
	[tilespmem:$0x1CC00] =	vst v63  }
0x15: {  	_ =	swait.ge [sflag:s10], $0x2800  }
0x16: {  	[sflag:s10] =	ssyncset.done $0x0  }
0x17: {  	[sflag:s10] =	ssyncadd.s32 $0xFFFFD800  }
0x18: {  	[spmem:s13], [sflag:s12] =	dma.local [hbm:s5], $0x2780  }
0x19: {  	_ =	swait.ge [sflag:s10], $0x2780  }
0x1a: {  	[sflag:s10] =	ssyncset.done $0x0  }
0x1b: {  	[sflag:s10] =	ssyncadd.s32 $0xFFFFD880  }
0x1c: {  	s18 =	simm.s32 $0x0;
	[bflag:$0x0] =	sbarrier.arrive $0xFFFF  }
0x1d: {  	[tilespmem:s15], [sflag:$0x1] =	stream.indirect.gather [hbm4b:s4+s14], $0x80, s18, s14, $0xb8;
	[tilespmem:$0x1CC00] =	vst v63  }
0x1e: {  	_ =	swait.ge [sflag:s16], $0x4000  }
0x1f: {  	[sflag:s16] =	ssyncset.done $0x0  }
0x20: {  	s31 =	simm.s32 $0x2800;
	[sflag:s16] =	ssyncadd.s32 $0xFFFFC000  }
0x21: {  	[spmem:s2] =	stream.indirect.scatter.add.f32 [tilespmem:s15], [sflag:$0x2], $0x80, s31, s14, $0xb8;
	[tilespmem:$0x1CC00] =	vst v63  }
0x22: {  	_ =	swait.ge [sflag:s10], $0x4000  }
0x23: {  	s19 =	simm.s32 $0x400;
	s18 =	simm.s32 $0x200;
	[sflag:s10] =	ssyncset.done $0x0  }
.LBB2_2:
0x24: {  	s20 =	sshra.s32 s18, $0x2  }
0x25: {  	[sflag:s10] =	ssyncadd.s32 $0xFFFFC000;
	s18 =	smov.u32 s19;
	s21 =	sadd.s32 $0x200, s19  }
0x26: {  	[tilespmem:s15], [sflag:$0x1] =	stream.indirect.gather [hbm4b:s4+s14], $0x80, s20, s14, $0xb8;
	[tilespmem:$0x1CC00] =	vst v63  }
0x27: {  	p0 =	sne.s32 s19, $0x9E00;
	_ =	swait.ge [sflag:s16], $0x4000  }
.Ltmp0:
0x28: {  	[sflag:s16] =	ssyncset.done $0x0;
	(pc) =	sbr.rel @p0 .LBB2_2-.Ltmp0, $4  }
0x29: {  	s19 =	sadd.s32 $0x2800, s20;
	[sflag:s16] =	ssyncadd.s32 $0xFFFFC000  }
0x2a: {  	[spmem:s2] =	stream.indirect.scatter.add.f32 [tilespmem:s15], [sflag:$0x2], $0x80, s19, s14, $0xb8;
	[tilespmem:$0x1CC00] =	vst v63  }
0x2b: {  	_ =	swait.ge [sflag:s10], $0x4000  }
0x2c: {  	s19 =	smov.u32 s21;
	[sflag:s10] =	ssyncset.done $0x0  }
0x2d: {  	s18 =	sshra.s32 s18, $0x2;
	[sflag:s10] =	ssyncadd.s32 $0xFFFFC000  }
0x2e: {  	[tilespmem:s15], [sflag:$0x1] =	stream.indirect.gather [hbm4b:s4+s14], $0x80, s18, s14, $0xb8;
	[tilespmem:$0x1CC00] =	vst v63  }
0x2f: {  	_ =	swait.ge [sflag:s16], $0x4000  }
0x30: {  	[sflag:s16] =	ssyncset.done $0x0  }
0x31: {  	s18 =	sadd.s32 $0x2800, s18;
	[sflag:s16] =	ssyncadd.s32 $0xFFFFC000  }
0x32: {  	[spmem:s2] =	stream.indirect.scatter.add.f32 [tilespmem:s15], [sflag:$0x2], $0x80, s18, s14, $0xb8;
	[tilespmem:$0x1CC00] =	vst v63  }
0x33: {  	_ =	swait.ge [sflag:s10], $0x4000  }
0x34: {  	s17 =	sadd.s32 $0x1, s17;
	[sflag:s10] =	ssyncset.done $0x0  }
0x35: {  	p0 =	sne.s32 s17, s9;
	[sflag:s10] =	ssyncadd.s32 $0xFFFFC000  }
.Ltmp1:
0x36: {  	[bflag:$0x0] =	sbarrier.arrive $0xFFFF;
	(pc) =	sbr.rel @p0 .LBB2_1-.Ltmp1, $4  }
0x37: {  	[hbm:s8], [sflag:s12] =	dma.local [spmem:s13], $0x2780  }
0x38: {  	_ =	swait.ge [sflag:s10], $0x2780  }
0x39: {  	[sflag:s10] =	ssyncset.done $0x0  }
0x3a: {  	[sflag:s10] =	ssyncadd.s32 $0xFFFFD880  }
0x3b: {  	_ =	sfence.sel $0x180000  }
0x3c: {  	[bflag:$0x0] =	sbarrier.arrive $0xFFFF  }
0x3d: {  	p0 =	sne.s32 s0, $0x0;
	_ =	strace $0x90000050  }
0x3e: {  	s0 =	sadd.s32 @!p0 $0x100000, s1;
	[bflag:$0x2] =	sbarrier.arrive $0xFFFF  }
0x3f: {  	[sflag:s0] =	ssyncadd.tile.s32 @!p0 $0x1;
	_ =	shalt  }
.Lfunc_end2:
_tile_overlayer_lowered:
.L_overlay_start_2:
0x40: {  	(tag) =	ssettag $0x2  }
0x41: {  	s0 =	rddreg [dreg:$0x0];
	s2 =	stileid.u32  }
0x42: {  	s1 =	rddreg [dreg:$0x1];
	p0 =	sne.s32 s2, $0x0  }
0x43: {  	s3 =	rddreg [dreg:$0x2];
	[bflag:$0x3] =	sbarrier.arrive $0xFFFF;
	s2 =	simm.s32 @!p0 $0x1C02  }
0x44: {  	[timem:s3], [sflag:s2] =	dma.local @!p0 [hbm:s0], s1  }
0x45: {  	s0 =	simm.s32 @!p0 $0x2  }
0x46: {  	_ =	swait.ge @!p0 [sflag:s0], s1  }
0x47: {  	s1 =	ssub.s32 @!p0 $0x0, s1;
	[sflag:s0] =	ssyncset.done @!p0 $0x0  }
0x48: {  	[sflag:s0] =	ssyncadd.s32 @!p0 s1  }
0x49: {  	[bflag:$0x3] =	sbarrier.arrive $0xFFFF  }
0x4a: {  	_ =	shalt  }

</sc_bundles>
